<compile_context>
chip_gen: v7x
topology: tpu7x:2x2x1
jax: 0.10.2.dev20260603
libtpu: 0.0.44.dev20260713+nightly
codegen_flags: <defaults>
</compile_context>

<pallas_src>
import functools

import jax
import jax.numpy as jnp
from jax import lax
from jax.experimental import pallas as pl
from jax.experimental.pallas import tpu as pltpu
from jax.experimental.pallas import tpu_sc as plsc

B = 1024
D = 256
CAP = 1000
STRIDE = 1001
K = 10

NC, NS, L = 2, 16, 16
NW = NC * NS
ROWS_PER_W = B // NW
GROUPS = ROWS_PER_W // L
OCT = 8
NBLK = CAP // OCT
IDX_MASK = 127

_DN = (((1,), (1,)), ((), ()))


def _tc_distances(state_ref, w1_ref, b1_ref, w2_ref, b2_ref, mem_ref,
                  out_ref, m8_ref):
    s = state_ref[...]
    w1 = w1_ref[...]
    w2 = w2_ref[...]
    b1 = b1_ref[...]
    b2 = b2_ref[...]
    m = mem_ref[...]
    hp = jax.lax.Precision.DEFAULT
    h = jnp.maximum(
        jax.lax.dot_general(s, w1, _DN, precision=hp,
                            preferred_element_type=jnp.float32) + b1, 0.0)
    e = jax.lax.dot_general(h, w2, _DN, precision=hp,
                            preferred_element_type=jnp.float32) + b2
    emt = jax.lax.dot_general(e, m, _DN, precision=hp,
                              preferred_element_type=jnp.float32)
    mem_sq = jnp.sum(m * m, axis=1)[None, :]
    e_sq = jnp.sum(e * e, axis=1, keepdims=True)
    d2 = jnp.maximum(e_sq - 2.0 * emt + mem_sq, 0.0)
    out_ref[:, :CAP] = d2
    mn = jnp.minimum(d2[:, :NBLK], d2[:, NBLK:2 * NBLK])
    for u in range(2, OCT):
        mn = jnp.minimum(mn, d2[:, u * NBLK:(u + 1) * NBLK])
    tag = lax.broadcasted_iota(jnp.int32, (B, NBLK), 1)
    m8_ref[...] = lax.bitcast_convert_type(
        (lax.bitcast_convert_type(mn, jnp.int32) & jnp.int32(~IDX_MASK))
        | tag, jnp.float32)


_tc_call = pl.pallas_call(
    _tc_distances,
    out_shape=(jax.ShapeDtypeStruct((B, STRIDE), jnp.float32),
               jax.ShapeDtypeStruct((B, NBLK), jnp.float32)),
)


def _psqrt(x):
    i = plsc.bitcast(x, jnp.int32)
    y = plsc.bitcast((i >> 1) + 0x1FBD1DF5, jnp.float32)
    for _ in range(2):
        y = 0.5 * (y + x / y)
    return jnp.where(x > 0.0, y, 0.0)


def _insert(ms, v):
    new = [jnp.minimum(ms[0], v)]
    for i in range(1, K):
        new.append(jnp.minimum(ms[i], jnp.maximum(v, ms[i - 1])))
    return tuple(new)


@functools.partial(
    pl.kernel,
    out_type=jax.ShapeDtypeStruct((B,), jnp.float32),
    mesh=plsc.VectorSubcoreMesh(core_axis_name="c", subcore_axis_name="s"),
    compiler_params=pltpu.CompilerParams(needs_layout_passes=False),
    scratch_types=[
        pltpu.VMEM((ROWS_PER_W, STRIDE), jnp.float32),
        pltpu.VMEM((ROWS_PER_W, NBLK), jnp.float32),
        pltpu.VMEM((ROWS_PER_W,), jnp.float32),
        pltpu.SemaphoreType.DMA,
    ],
)
def _sc_topk(d2_hbm, m8_hbm, out_hbm, buf_v, m8_v, out_v, sem):
    wid = lax.axis_index("s") * NC + lax.axis_index("c")
    row_base = wid * ROWS_PER_W
    cp = pltpu.async_copy(d2_hbm.at[pl.ds(row_base, ROWS_PER_W), :],
                          buf_v, sem)
    pltpu.sync_copy(m8_hbm.at[pl.ds(row_base, ROWS_PER_W), :], m8_v)

    rows = [lax.iota(jnp.int32, L) + (g * L) for g in range(GROUPS)]
    init = tuple(
        tuple(jnp.full((L,), 1e30, jnp.float32) for _ in range(K))
        for _ in range(GROUPS))
    tv0 = jnp.full((L,), 0, jnp.int32)

    UNROLL = 5

    def body(t, carry):
        tv, mss = carry
        mss = list(mss)
        for u in range(UNROLL):
            for g in range(GROUPS):
                v = plsc.load_gather(m8_v, [rows[g], tv + u])
                mss[g] = _insert(mss[g], v)
        return tv + UNROLL, tuple(mss)

    _, mss = lax.fori_loop(0, NBLK // UNROLL, body, (tv0, init))

    cp.wait()

    init2 = tuple(
        tuple(jnp.full((L,), 1e30, jnp.float32) for _ in range(K))
        for _ in range(GROUPS))

    def body2(k, mss2):
        mss2 = list(mss2)
        for g in range(GROUPS):
            w = mss[g][0]
            for i in range(1, K):
                w = jnp.where(k == i, mss[g][i], w)
            q = plsc.bitcast(w, jnp.int32) & jnp.int32(IDX_MASK)
            for u in range(OCT):
                vv = plsc.load_gather(buf_v, [rows[g], q + (u * NBLK)])
                mss2[g] = _insert(mss2[g], vv)
        return tuple(mss2)

    mss2 = lax.fori_loop(0, K, body2, init2)

    for g in range(GROUPS):
        ms = mss2[g]
        acc = _psqrt(ms[0])
        for i in range(1, K):
            acc = acc + _psqrt(ms[i])
        out_v[pl.ds(g * L, L)] = acc * (1.0 / K)

    pltpu.sync_copy(out_v, out_hbm.at[pl.ds(row_base, ROWS_PER_W)])


def kernel(state, W1, b1, W2, b2, memory):
    d2, m8 = _tc_call(state, W1, b1[None, :], W2, b2[None, :], memory)
    return _sc_topk(d2, m8)

# --- scband reference (transcript-rebuilt; emitter-appended) ---
"""Pipeline reference for scband-novelty-detector-10746008175308 (READ-ONLY COPY).

The authoritative reference and input builder live on the scoring server;
editing this copy changes nothing except your own understanding.
"""

import jax, jax.numpy as jnp
import numpy as np

B = 1024
D = 256
CAP = 1000
K_NEAREST = 10

def setup_inputs(seed: int = 0) -> dict:
    key = jax.random.key(seed)
    ks = jax.random.split(key, 6)
    state = jax.random.normal(ks[0], (B, D), dtype=jnp.float32)
    s = 1.0 / np.sqrt(D)
    W1 = jax.random.uniform(ks[1], (D, D), minval=-s, maxval=s, dtype=jnp.float32)
    b1 = jax.random.uniform(ks[2], (D,), minval=-s, maxval=s, dtype=jnp.float32)
    W2 = jax.random.uniform(ks[3], (D, D), minval=-s, maxval=s, dtype=jnp.float32)
    b2 = jax.random.uniform(ks[4], (D,), minval=-s, maxval=s, dtype=jnp.float32)
    # Episodic memory buffer, assumed fully populated (memory_count >= capacity)
    memory = jax.random.normal(ks[5], (CAP, D), dtype=jnp.float32)
    return {"state": state, "W1": W1, "b1": b1, "W2": W2, "b2": b2, "memory": memory}

def reference(state, W1, b1, W2, b2, memory):
    # encoder: Linear -> ReLU -> Linear (torch Linear computes x @ W.T + b)
    h = jnp.maximum(state @ W1.T + b1, 0.0)
    state_encoded = h @ W2.T + b2
    # pairwise L2 distances to all valid memory entries (valid_count == capacity)
    diff = state_encoded[:, None, :] - memory[None, :, :]
    distances = jnp.sqrt(jnp.sum(diff * diff, axis=-1))
    # k smallest distances == top_k of negated distances
    neg_knn, _ = jax.lax.top_k(-distances, K_NEAREST)
    novelty = jnp.mean(-neg_knn, axis=-1)
    return novelty

if __name__ == "__main__":
    import jax
    _d = setup_inputs()
    print(jax.jit(kernel)(*tuple(_d.values())))

</pallas_src>

<mosaic_0001>
#map = affine_map<(d0, d1) -> (0, 0)>
#map1 = affine_map<(d0, d1) -> (0)>
module attributes {stable_mosaic.version = 14 : i64} {
  func.func @_sc_topk(%arg0: i32, %arg1: i32, %arg2: memref<1024x1001xf32, #tpu.memory_space<hbm>>, %arg3: memref<1024x125xf32, #tpu.memory_space<hbm>>, %arg4: memref<1024xf32, #tpu.memory_space<hbm>>, %arg5: memref<32x1001xf32, #tpu.memory_space<vmem>>, %arg6: memref<32x125xf32, #tpu.memory_space<vmem>>, %arg7: memref<32xf32, #tpu.memory_space<vmem>>, %arg8: memref<!tpu.dma_semaphore, #tpu.memory_space<semaphore_mem>>) attributes {dimension_semantics = [#tpu.dimension_semantics<core_parallel>, #tpu.dimension_semantics<subcore_parallel>], iteration_bounds = array<i64: 2, 16>, scalar_prefetch = 0 : i64, scratch_operands = 4 : i64, tpu.core_type = #tpu.core_type<sc_vector_subcore>, window_params = [{transform_indices = #map}, {transform_indices = #map}, {transform_indices = #map1}]} {
    %mul3A = arith.constant 2 : i32
    %mul3A_0 = arith.muli %arg1, %mul3A : i32
    %add3A = arith.addi %mul3A_0, %arg0 : i32
    %mul3A_1 = arith.constant 32 : i32
    %mul3A_2 = arith.muli %add3A, %mul3A_1 : i32
    %dma_start3A = arith.constant 0 : i32
    %dma_start3A_3 = tpu.memref_slice %arg2[%mul3A_2, %dma_start3A] : memref<1024x1001xf32, #tpu.memory_space<hbm>> -> memref<32x1001xf32, #tpu.memory_space<hbm>>
    %dma_start3A_4 = arith.constant 0 : i32
    %dma_start3A_5 = tpu.memref_slice %arg2[%mul3A_2, %dma_start3A_4] : memref<1024x1001xf32, #tpu.memory_space<hbm>> -> memref<32x1001xf32, #tpu.memory_space<hbm>>
    tpu.enqueue_dma source(%dma_start3A_5 : memref<32x1001xf32, #tpu.memory_space<hbm>>) target(%arg5 : memref<32x1001xf32, #tpu.memory_space<vmem>>) target_semaphore(%arg8 : memref<!tpu.dma_semaphore, #tpu.memory_space<semaphore_mem>>)
    "tpu.region"() ({
      %run_scoped3A = tpu.sem_alloc : memref<!tpu.dma_semaphore, #tpu.memory_space<semaphore_mem>>
      %dma_start3A_609 = arith.constant 0 : i32
      %dma_start3A_610 = tpu.memref_slice %arg3[%mul3A_2, %dma_start3A_609] : memref<1024x125xf32, #tpu.memory_space<hbm>> -> memref<32x125xf32, #tpu.memory_space<hbm>>
      %dma_start3A_611 = arith.constant 0 : i32
      %dma_start3A_612 = tpu.memref_slice %arg3[%mul3A_2, %dma_start3A_611] : memref<1024x125xf32, #tpu.memory_space<hbm>> -> memref<32x125xf32, #tpu.memory_space<hbm>>
      tpu.enqueue_dma source(%dma_start3A_612 : memref<32x125xf32, #tpu.memory_space<hbm>>) target(%arg6 : memref<32x125xf32, #tpu.memory_space<vmem>>) target_semaphore(%run_scoped3A : memref<!tpu.dma_semaphore, #tpu.memory_space<semaphore_mem>>)
      %dma_wait3A_613 = arith.constant 0 : i32
      %dma_wait3A_614 = tpu.memref_slice %arg3[%mul3A_2, %dma_wait3A_613] : memref<1024x125xf32, #tpu.memory_space<hbm>> -> memref<32x125xf32, #tpu.memory_space<hbm>>
      %dma_wait3A_615 = arith.constant 0 : i32
      %dma_wait3A_616 = tpu.memref_slice %arg3[%mul3A_2, %dma_wait3A_615] : memref<1024x125xf32, #tpu.memory_space<hbm>> -> memref<32x125xf32, #tpu.memory_space<hbm>>
      tpu.wait_dma2 semaphore(%run_scoped3A : memref<!tpu.dma_semaphore, #tpu.memory_space<semaphore_mem>>) src(%dma_wait3A_616 : memref<32x125xf32, #tpu.memory_space<hbm>>) dst(%arg6 : memref<32x125xf32, #tpu.memory_space<vmem>>)
      tpu.yield
    }) : () -> ()
    %iota3A = tpu.iota {dimensions = array<i32: 0>} : vector<16xi32>
    %add3A_6 = arith.constant 0 : i32
    %add3A_7 = vector.broadcast %add3A_6 : i32 to vector<16xi32>
    %add3A_8 = arith.addi %iota3A, %add3A_7 : vector<16xi32>
    %iota3A_9 = tpu.iota {dimensions = array<i32: 0>} : vector<16xi32>
    %add3A_10 = arith.constant 16 : i32
    %add3A_11 = vector.broadcast %add3A_10 : i32 to vector<16xi32>
    %add3A_12 = arith.addi %iota3A_9, %add3A_11 : vector<16xi32>
    %broadcast_in_dim3A = arith.constant 1.000000e+30 : f32
    %broadcast_in_dim3A_13 = vector.broadcast %broadcast_in_dim3A : f32 to vector<16xf32>
    %broadcast_in_dim3A_14 = arith.constant 1.000000e+30 : f32
    %broadcast_in_dim3A_15 = vector.broadcast %broadcast_in_dim3A_14 : f32 to vector<16xf32>
    %broadcast_in_dim3A_16 = arith.constant 1.000000e+30 : f32
    %broadcast_in_dim3A_17 = vector.broadcast %broadcast_in_dim3A_16 : f32 to vector<16xf32>
    %broadcast_in_dim3A_18 = arith.constant 1.000000e+30 : f32
    %broadcast_in_dim3A_19 = vector.broadcast %broadcast_in_dim3A_18 : f32 to vector<16xf32>
    %broadcast_in_dim3A_20 = arith.constant 1.000000e+30 : f32
    %broadcast_in_dim3A_21 = vector.broadcast %broadcast_in_dim3A_20 : f32 to vector<16xf32>
    %broadcast_in_dim3A_22 = arith.constant 1.000000e+30 : f32
    %broadcast_in_dim3A_23 = vector.broadcast %broadcast_in_dim3A_22 : f32 to vector<16xf32>
    %broadcast_in_dim3A_24 = arith.constant 1.000000e+30 : f32
    %broadcast_in_dim3A_25 = vector.broadcast %broadcast_in_dim3A_24 : f32 to vector<16xf32>
    %broadcast_in_dim3A_26 = arith.constant 1.000000e+30 : f32
    %broadcast_in_dim3A_27 = vector.broadcast %broadcast_in_dim3A_26 : f32 to vector<16xf32>
    %broadcast_in_dim3A_28 = arith.constant 1.000000e+30 : f32
    %broadcast_in_dim3A_29 = vector.broadcast %broadcast_in_dim3A_28 : f32 to vector<16xf32>
    %broadcast_in_dim3A_30 = arith.constant 1.000000e+30 : f32
    %broadcast_in_dim3A_31 = vector.broadcast %broadcast_in_dim3A_30 : f32 to vector<16xf32>
    %broadcast_in_dim3A_32 = arith.constant 1.000000e+30 : f32
    %broadcast_in_dim3A_33 = vector.broadcast %broadcast_in_dim3A_32 : f32 to vector<16xf32>
    %broadcast_in_dim3A_34 = arith.constant 1.000000e+30 : f32
    %broadcast_in_dim3A_35 = vector.broadcast %broadcast_in_dim3A_34 : f32 to vector<16xf32>
    %broadcast_in_dim3A_36 = arith.constant 1.000000e+30 : f32
    %broadcast_in_dim3A_37 = vector.broadcast %broadcast_in_dim3A_36 : f32 to vector<16xf32>
    %broadcast_in_dim3A_38 = arith.constant 1.000000e+30 : f32
    %broadcast_in_dim3A_39 = vector.broadcast %broadcast_in_dim3A_38 : f32 to vector<16xf32>
    %broadcast_in_dim3A_40 = arith.constant 1.000000e+30 : f32
    %broadcast_in_dim3A_41 = vector.broadcast %broadcast_in_dim3A_40 : f32 to vector<16xf32>
    %broadcast_in_dim3A_42 = arith.constant 1.000000e+30 : f32
    %broadcast_in_dim3A_43 = vector.broadcast %broadcast_in_dim3A_42 : f32 to vector<16xf32>
    %broadcast_in_dim3A_44 = arith.constant 1.000000e+30 : f32
    %broadcast_in_dim3A_45 = vector.broadcast %broadcast_in_dim3A_44 : f32 to vector<16xf32>
    %broadcast_in_dim3A_46 = arith.constant 1.000000e+30 : f32
    %broadcast_in_dim3A_47 = vector.broadcast %broadcast_in_dim3A_46 : f32 to vector<16xf32>
    %broadcast_in_dim3A_48 = arith.constant 1.000000e+30 : f32
    %broadcast_in_dim3A_49 = vector.broadcast %broadcast_in_dim3A_48 : f32 to vector<16xf32>
    %broadcast_in_dim3A_50 = arith.constant 1.000000e+30 : f32
    %broadcast_in_dim3A_51 = vector.broadcast %broadcast_in_dim3A_50 : f32 to vector<16xf32>
    %broadcast_in_dim3A_52 = arith.constant 0 : i32
    %broadcast_in_dim3A_53 = vector.broadcast %broadcast_in_dim3A_52 : i32 to vector<16xi32>
    %scan3A = arith.constant 0 : i32
    %scan3A_54 = arith.constant 25 : i32
    %scan3A_55 = arith.addi %scan3A, %scan3A_54 : i32
    %scan3A_56 = arith.constant 1 : i32
    %scan3A_57:21 = scf.for %scan3A_609 = %scan3A to %scan3A_55 step %scan3A_56 iter_args(%scan3A_610 = %broadcast_in_dim3A_53, %scan3A_611 = %broadcast_in_dim3A_13, %scan3A_612 = %broadcast_in_dim3A_15, %scan3A_613 = %broadcast_in_dim3A_17, %scan3A_614 = %broadcast_in_dim3A_19, %scan3A_615 = %broadcast_in_dim3A_21, %scan3A_616 = %broadcast_in_dim3A_23, %scan3A_617 = %broadcast_in_dim3A_25, %scan3A_618 = %broadcast_in_dim3A_27, %scan3A_619 = %broadcast_in_dim3A_29, %scan3A_620 = %broadcast_in_dim3A_31, %scan3A_621 = %broadcast_in_dim3A_33, %scan3A_622 = %broadcast_in_dim3A_35, %scan3A_623 = %broadcast_in_dim3A_37, %scan3A_624 = %broadcast_in_dim3A_39, %scan3A_625 = %broadcast_in_dim3A_41, %scan3A_626 = %broadcast_in_dim3A_43, %scan3A_627 = %broadcast_in_dim3A_45, %scan3A_628 = %broadcast_in_dim3A_47, %scan3A_629 = %broadcast_in_dim3A_49, %scan3A_630 = %broadcast_in_dim3A_51) -> (vector<16xi32>, vector<16xf32>, vector<16xf32>, vector<16xf32>, vector<16xf32>, vector<16xf32>, vector<16xf32>, vector<16xf32>, vector<16xf32>, vector<16xf32>, vector<16xf32>, vector<16xf32>, vector<16xf32>, vector<16xf32>, vector<16xf32>, vector<16xf32>, vector<16xf32>, vector<16xf32>, vector<16xf32>, vector<16xf32>, vector<16xf32>)  : i32 {
      %add3A_631 = arith.constant 0 : i32
      %add3A_632 = vector.broadcast %add3A_631 : i32 to vector<16xi32>
      %add3A_633 = arith.addi %scan3A_610, %add3A_632 : vector<16xi32>
      %gather3A = tpu.vector_load_idx %arg6[%add3A_8, %add3A_633] : memref<32x125xf32, #tpu.memory_space<vmem>>[vector<16xi32>, vector<16xi32>], vector<16xf32>,
      %min3A = arith.minimumf %scan3A_611, %gather3A : vector<16xf32>
      %max3A = arith.maximumf %gather3A, %scan3A_611 : vector<16xf32>
      %min3A_634 = arith.minimumf %scan3A_612, %max3A : vector<16xf32>
      %max3A_635 = arith.maximumf %gather3A, %scan3A_612 : vector<16xf32>
      %min3A_636 = arith.minimumf %scan3A_613, %max3A_635 : vector<16xf32>
      %max3A_637 = arith.maximumf %gather3A, %scan3A_613 : vector<16xf32>
      %min3A_638 = arith.minimumf %scan3A_614, %max3A_637 : vector<16xf32>
      %max3A_639 = arith.maximumf %gather3A, %scan3A_614 : vector<16xf32>
      %min3A_640 = arith.minimumf %scan3A_615, %max3A_639 : vector<16xf32>
      %max3A_641 = arith.maximumf %gather3A, %scan3A_615 : vector<16xf32>
      %min3A_642 = arith.minimumf %scan3A_616, %max3A_641 : vector<16xf32>
      %max3A_643 = arith.maximumf %gather3A, %scan3A_616 : vector<16xf32>
      %min3A_644 = arith.minimumf %scan3A_617, %max3A_643 : vector<16xf32>
      %max3A_645 = arith.maximumf %gather3A, %scan3A_617 : vector<16xf32>
      %min3A_646 = arith.minimumf %scan3A_618, %max3A_645 : vector<16xf32>
      %max3A_647 = arith.maximumf %gather3A, %scan3A_618 : vector<16xf32>
      %min3A_648 = arith.minimumf %scan3A_619, %max3A_647 : vector<16xf32>
      %max3A_649 = arith.maximumf %gather3A, %scan3A_619 : vector<16xf32>
      %min3A_650 = arith.minimumf %scan3A_620, %max3A_649 : vector<16xf32>
      %add3A_651 = arith.constant 0 : i32
      %add3A_652 = vector.broadcast %add3A_651 : i32 to vector<16xi32>
      %add3A_653 = arith.addi %scan3A_610, %add3A_652 : vector<16xi32>
      %gather3A_654 = tpu.vector_load_idx %arg6[%add3A_12, %add3A_653] : memref<32x125xf32, #tpu.memory_space<vmem>>[vector<16xi32>, vector<16xi32>], vector<16xf32>,
      %min3A_655 = arith.minimumf %scan3A_621, %gather3A_654 : vector<16xf32>
      %max3A_656 = arith.maximumf %gather3A_654, %scan3A_621 : vector<16xf32>
      %min3A_657 = arith.minimumf %scan3A_622, %max3A_656 : vector<16xf32>
      %max3A_658 = arith.maximumf %gather3A_654, %scan3A_622 : vector<16xf32>
      %min3A_659 = arith.minimumf %scan3A_623, %max3A_658 : vector<16xf32>
      %max3A_660 = arith.maximumf %gather3A_654, %scan3A_623 : vector<16xf32>
      %min3A_661 = arith.minimumf %scan3A_624, %max3A_660 : vector<16xf32>
      %max3A_662 = arith.maximumf %gather3A_654, %scan3A_624 : vector<16xf32>
      %min3A_663 = arith.minimumf %scan3A_625, %max3A_662 : vector<16xf32>
      %max3A_664 = arith.maximumf %gather3A_654, %scan3A_625 : vector<16xf32>
      %min3A_665 = arith.minimumf %scan3A_626, %max3A_664 : vector<16xf32>
      %max3A_666 = arith.maximumf %gather3A_654, %scan3A_626 : vector<16xf32>
      %min3A_667 = arith.minimumf %scan3A_627, %max3A_666 : vector<16xf32>
      %max3A_668 = arith.maximumf %gather3A_654, %scan3A_627 : vector<16xf32>
      %min3A_669 = arith.minimumf %scan3A_628, %max3A_668 : vector<16xf32>
      %max3A_670 = arith.maximumf %gather3A_654, %scan3A_628 : vector<16xf32>
      %min3A_671 = arith.minimumf %scan3A_629, %max3A_670 : vector<16xf32>
      %max3A_672 = arith.maximumf %gather3A_654, %scan3A_629 : vector<16xf32>
      %min3A_673 = arith.minimumf %scan3A_630, %max3A_672 : vector<16xf32>
      %add3A_674 = arith.constant 1 : i32
      %add3A_675 = vector.broadcast %add3A_674 : i32 to vector<16xi32>
      %add3A_676 = arith.addi %scan3A_610, %add3A_675 : vector<16xi32>
      %gather3A_677 = tpu.vector_load_idx %arg6[%add3A_8, %add3A_676] : memref<32x125xf32, #tpu.memory_space<vmem>>[vector<16xi32>, vector<16xi32>], vector<16xf32>,
      %min3A_678 = arith.minimumf %min3A, %gather3A_677 : vector<16xf32>
      %max3A_679 = arith.maximumf %gather3A_677, %min3A : vector<16xf32>
      %min3A_680 = arith.minimumf %min3A_634, %max3A_679 : vector<16xf32>
      %max3A_681 = arith.maximumf %gather3A_677, %min3A_634 : vector<16xf32>
      %min3A_682 = arith.minimumf %min3A_636, %max3A_681 : vector<16xf32>
      %max3A_683 = arith.maximumf %gather3A_677, %min3A_636 : vector<16xf32>
      %min3A_684 = arith.minimumf %min3A_638, %max3A_683 : vector<16xf32>
      %max3A_685 = arith.maximumf %gather3A_677, %min3A_638 : vector<16xf32>
      %min3A_686 = arith.minimumf %min3A_640, %max3A_685 : vector<16xf32>
      %max3A_687 = arith.maximumf %gather3A_677, %min3A_640 : vector<16xf32>
      %min3A_688 = arith.minimumf %min3A_642, %max3A_687 : vector<16xf32>
      %max3A_689 = arith.maximumf %gather3A_677, %min3A_642 : vector<16xf32>
      %min3A_690 = arith.minimumf %min3A_644, %max3A_689 : vector<16xf32>
      %max3A_691 = arith.maximumf %gather3A_677, %min3A_644 : vector<16xf32>
      %min3A_692 = arith.minimumf %min3A_646, %max3A_691 : vector<16xf32>
      %max3A_693 = arith.maximumf %gather3A_677, %min3A_646 : vector<16xf32>
      %min3A_694 = arith.minimumf %min3A_648, %max3A_693 : vector<16xf32>
      %max3A_695 = arith.maximumf %gather3A_677, %min3A_648 : vector<16xf32>
      %min3A_696 = arith.minimumf %min3A_650, %max3A_695 : vector<16xf32>
      %add3A_697 = arith.constant 1 : i32
      %add3A_698 = vector.broadcast %add3A_697 : i32 to vector<16xi32>
      %add3A_699 = arith.addi %scan3A_610, %add3A_698 : vector<16xi32>
      %gather3A_700 = tpu.vector_load_idx %arg6[%add3A_12, %add3A_699] : memref<32x125xf32, #tpu.memory_space<vmem>>[vector<16xi32>, vector<16xi32>], vector<16xf32>,
      %min3A_701 = arith.minimumf %min3A_655, %gather3A_700 : vector<16xf32>
      %max3A_702 = arith.maximumf %gather3A_700, %min3A_655 : vector<16xf32>
      %min3A_703 = arith.minimumf %min3A_657, %max3A_702 : vector<16xf32>
      %max3A_704 = arith.maximumf %gather3A_700, %min3A_657 : vector<16xf32>
      %min3A_705 = arith.minimumf %min3A_659, %max3A_704 : vector<16xf32>
      %max3A_706 = arith.maximumf %gather3A_700, %min3A_659 : vector<16xf32>
      %min3A_707 = arith.minimumf %min3A_661, %max3A_706 : vector<16xf32>
      %max3A_708 = arith.maximumf %gather3A_700, %min3A_661 : vector<16xf32>
      %min3A_709 = arith.minimumf %min3A_663, %max3A_708 : vector<16xf32>
      %max3A_710 = arith.maximumf %gather3A_700, %min3A_663 : vector<16xf32>
      %min3A_711 = arith.minimumf %min3A_665, %max3A_710 : vector<16xf32>
      %max3A_712 = arith.maximumf %gather3A_700, %min3A_665 : vector<16xf32>
      %min3A_713 = arith.minimumf %min3A_667, %max3A_712 : vector<16xf32>
      %max3A_714 = arith.maximumf %gather3A_700, %min3A_667 : vector<16xf32>
      %min3A_715 = arith.minimumf %min3A_669, %max3A_714 : vector<16xf32>
      %max3A_716 = arith.maximumf %gather3A_700, %min3A_669 : vector<16xf32>
      %min3A_717 = arith.minimumf %min3A_671, %max3A_716 : vector<16xf32>
      %max3A_718 = arith.maximumf %gather3A_700, %min3A_671 : vector<16xf32>
      %min3A_719 = arith.minimumf %min3A_673, %max3A_718 : vector<16xf32>
      %add3A_720 = arith.constant 2 : i32
      %add3A_721 = vector.broadcast %add3A_720 : i32 to vector<16xi32>
      %add3A_722 = arith.addi %scan3A_610, %add3A_721 : vector<16xi32>
      %gather3A_723 = tpu.vector_load_idx %arg6[%add3A_8, %add3A_722] : memref<32x125xf32, #tpu.memory_space<vmem>>[vector<16xi32>, vector<16xi32>], vector<16xf32>,
      %min3A_724 = arith.minimumf %min3A_678, %gather3A_723 : vector<16xf32>
      %max3A_725 = arith.maximumf %gather3A_723, %min3A_678 : vector<16xf32>
      %min3A_726 = arith.minimumf %min3A_680, %max3A_725 : vector<16xf32>
      %max3A_727 = arith.maximumf %gather3A_723, %min3A_680 : vector<16xf32>
      %min3A_728 = arith.minimumf %min3A_682, %max3A_727 : vector<16xf32>
      %max3A_729 = arith.maximumf %gather3A_723, %min3A_682 : vector<16xf32>
      %min3A_730 = arith.minimumf %min3A_684, %max3A_729 : vector<16xf32>
      %max3A_731 = arith.maximumf %gather3A_723, %min3A_684 : vector<16xf32>
      %min3A_732 = arith.minimumf %min3A_686, %max3A_731 : vector<16xf32>
      %max3A_733 = arith.maximumf %gather3A_723, %min3A_686 : vector<16xf32>
      %min3A_734 = arith.minimumf %min3A_688, %max3A_733 : vector<16xf32>
      %max3A_735 = arith.maximumf %gather3A_723, %min3A_688 : vector<16xf32>
      %min3A_736 = arith.minimumf %min3A_690, %max3A_735 : vector<16xf32>
      %max3A_737 = arith.maximumf %gather3A_723, %min3A_690 : vector<16xf32>
      %min3A_738 = arith.minimumf %min3A_692, %max3A_737 : vector<16xf32>
      %max3A_739 = arith.maximumf %gather3A_723, %min3A_692 : vector<16xf32>
      %min3A_740 = arith.minimumf %min3A_694, %max3A_739 : vector<16xf32>
      %max3A_741 = arith.maximumf %gather3A_723, %min3A_694 : vector<16xf32>
      %min3A_742 = arith.minimumf %min3A_696, %max3A_741 : vector<16xf32>
      %add3A_743 = arith.constant 2 : i32
      %add3A_744 = vector.broadcast %add3A_743 : i32 to vector<16xi32>
      %add3A_745 = arith.addi %scan3A_610, %add3A_744 : vector<16xi32>
      %gather3A_746 = tpu.vector_load_idx %arg6[%add3A_12, %add3A_745] : memref<32x125xf32, #tpu.memory_space<vmem>>[vector<16xi32>, vector<16xi32>], vector<16xf32>,
      %min3A_747 = arith.minimumf %min3A_701, %gather3A_746 : vector<16xf32>
      %max3A_748 = arith.maximumf %gather3A_746, %min3A_701 : vector<16xf32>
      %min3A_749 = arith.minimumf %min3A_703, %max3A_748 : vector<16xf32>
      %max3A_750 = arith.maximumf %gather3A_746, %min3A_703 : vector<16xf32>
      %min3A_751 = arith.minimumf %min3A_705, %max3A_750 : vector<16xf32>
      %max3A_752 = arith.maximumf %gather3A_746, %min3A_705 : vector<16xf32>
      %min3A_753 = arith.minimumf %min3A_707, %max3A_752 : vector<16xf32>
      %max3A_754 = arith.maximumf %gather3A_746, %min3A_707 : vector<16xf32>
      %min3A_755 = arith.minimumf %min3A_709, %max3A_754 : vector<16xf32>
      %max3A_756 = arith.maximumf %gather3A_746, %min3A_709 : vector<16xf32>
      %min3A_757 = arith.minimumf %min3A_711, %max3A_756 : vector<16xf32>
      %max3A_758 = arith.maximumf %gather3A_746, %min3A_711 : vector<16xf32>
      %min3A_759 = arith.minimumf %min3A_713, %max3A_758 : vector<16xf32>
      %max3A_760 = arith.maximumf %gather3A_746, %min3A_713 : vector<16xf32>
      %min3A_761 = arith.minimumf %min3A_715, %max3A_760 : vector<16xf32>
      %max3A_762 = arith.maximumf %gather3A_746, %min3A_715 : vector<16xf32>
      %min3A_763 = arith.minimumf %min3A_717, %max3A_762 : vector<16xf32>
      %max3A_764 = arith.maximumf %gather3A_746, %min3A_717 : vector<16xf32>
      %min3A_765 = arith.minimumf %min3A_719, %max3A_764 : vector<16xf32>
      %add3A_766 = arith.constant 3 : i32
      %add3A_767 = vector.broadcast %add3A_766 : i32 to vector<16xi32>
      %add3A_768 = arith.addi %scan3A_610, %add3A_767 : vector<16xi32>
      %gather3A_769 = tpu.vector_load_idx %arg6[%add3A_8, %add3A_768] : memref<32x125xf32, #tpu.memory_space<vmem>>[vector<16xi32>, vector<16xi32>], vector<16xf32>,
      %min3A_770 = arith.minimumf %min3A_724, %gather3A_769 : vector<16xf32>
      %max3A_771 = arith.maximumf %gather3A_769, %min3A_724 : vector<16xf32>
      %min3A_772 = arith.minimumf %min3A_726, %max3A_771 : vector<16xf32>
      %max3A_773 = arith.maximumf %gather3A_769, %min3A_726 : vector<16xf32>
      %min3A_774 = arith.minimumf %min3A_728, %max3A_773 : vector<16xf32>
      %max3A_775 = arith.maximumf %gather3A_769, %min3A_728 : vector<16xf32>
      %min3A_776 = arith.minimumf %min3A_730, %max3A_775 : vector<16xf32>
      %max3A_777 = arith.maximumf %gather3A_769, %min3A_730 : vector<16xf32>
      %min3A_778 = arith.minimumf %min3A_732, %max3A_777 : vector<16xf32>
      %max3A_779 = arith.maximumf %gather3A_769, %min3A_732 : vector<16xf32>
      %min3A_780 = arith.minimumf %min3A_734, %max3A_779 : vector<16xf32>
      %max3A_781 = arith.maximumf %gather3A_769, %min3A_734 : vector<16xf32>
      %min3A_782 = arith.minimumf %min3A_736, %max3A_781 : vector<16xf32>
      %max3A_783 = arith.maximumf %gather3A_769, %min3A_736 : vector<16xf32>
      %min3A_784 = arith.minimumf %min3A_738, %max3A_783 : vector<16xf32>
      %max3A_785 = arith.maximumf %gather3A_769, %min3A_738 : vector<16xf32>
      %min3A_786 = arith.minimumf %min3A_740, %max3A_785 : vector<16xf32>
      %max3A_787 = arith.maximumf %gather3A_769, %min3A_740 : vector<16xf32>
      %min3A_788 = arith.minimumf %min3A_742, %max3A_787 : vector<16xf32>
      %add3A_789 = arith.constant 3 : i32
      %add3A_790 = vector.broadcast %add3A_789 : i32 to vector<16xi32>
      %add3A_791 = arith.addi %scan3A_610, %add3A_790 : vector<16xi32>
      %gather3A_792 = tpu.vector_load_idx %arg6[%add3A_12, %add3A_791] : memref<32x125xf32, #tpu.memory_space<vmem>>[vector<16xi32>, vector<16xi32>], vector<16xf32>,
      %min3A_793 = arith.minimumf %min3A_747, %gather3A_792 : vector<16xf32>
      %max3A_794 = arith.maximumf %gather3A_792, %min3A_747 : vector<16xf32>
      %min3A_795 = arith.minimumf %min3A_749, %max3A_794 : vector<16xf32>
      %max3A_796 = arith.maximumf %gather3A_792, %min3A_749 : vector<16xf32>
      %min3A_797 = arith.minimumf %min3A_751, %max3A_796 : vector<16xf32>
      %max3A_798 = arith.maximumf %gather3A_792, %min3A_751 : vector<16xf32>
      %min3A_799 = arith.minimumf %min3A_753, %max3A_798 : vector<16xf32>
      %max3A_800 = arith.maximumf %gather3A_792, %min3A_753 : vector<16xf32>
      %min3A_801 = arith.minimumf %min3A_755, %max3A_800 : vector<16xf32>
      %max3A_802 = arith.maximumf %gather3A_792, %min3A_755 : vector<16xf32>
      %min3A_803 = arith.minimumf %min3A_757, %max3A_802 : vector<16xf32>
      %max3A_804 = arith.maximumf %gather3A_792, %min3A_757 : vector<16xf32>
      %min3A_805 = arith.minimumf %min3A_759, %max3A_804 : vector<16xf32>
      %max3A_806 = arith.maximumf %gather3A_792, %min3A_759 : vector<16xf32>
      %min3A_807 = arith.minimumf %min3A_761, %max3A_806 : vector<16xf32>
      %max3A_808 = arith.maximumf %gather3A_792, %min3A_761 : vector<16xf32>
      %min3A_809 = arith.minimumf %min3A_763, %max3A_808 : vector<16xf32>
      %max3A_810 = arith.maximumf %gather3A_792, %min3A_763 : vector<16xf32>
      %min3A_811 = arith.minimumf %min3A_765, %max3A_810 : vector<16xf32>
      %add3A_812 = arith.constant 4 : i32
      %add3A_813 = vector.broadcast %add3A_812 : i32 to vector<16xi32>
      %add3A_814 = arith.addi %scan3A_610, %add3A_813 : vector<16xi32>
      %gather3A_815 = tpu.vector_load_idx %arg6[%add3A_8, %add3A_814] : memref<32x125xf32, #tpu.memory_space<vmem>>[vector<16xi32>, vector<16xi32>], vector<16xf32>,
      %min3A_816 = arith.minimumf %min3A_770, %gather3A_815 : vector<16xf32>
      %max3A_817 = arith.maximumf %gather3A_815, %min3A_770 : vector<16xf32>
      %min3A_818 = arith.minimumf %min3A_772, %max3A_817 : vector<16xf32>
      %max3A_819 = arith.maximumf %gather3A_815, %min3A_772 : vector<16xf32>
      %min3A_820 = arith.minimumf %min3A_774, %max3A_819 : vector<16xf32>
      %max3A_821 = arith.maximumf %gather3A_815, %min3A_774 : vector<16xf32>
      %min3A_822 = arith.minimumf %min3A_776, %max3A_821 : vector<16xf32>
      %max3A_823 = arith.maximumf %gather3A_815, %min3A_776 : vector<16xf32>
      %min3A_824 = arith.minimumf %min3A_778, %max3A_823 : vector<16xf32>
      %max3A_825 = arith.maximumf %gather3A_815, %min3A_778 : vector<16xf32>
      %min3A_826 = arith.minimumf %min3A_780, %max3A_825 : vector<16xf32>
      %max3A_827 = arith.maximumf %gather3A_815, %min3A_780 : vector<16xf32>
      %min3A_828 = arith.minimumf %min3A_782, %max3A_827 : vector<16xf32>
      %max3A_829 = arith.maximumf %gather3A_815, %min3A_782 : vector<16xf32>
      %min3A_830 = arith.minimumf %min3A_784, %max3A_829 : vector<16xf32>
      %max3A_831 = arith.maximumf %gather3A_815, %min3A_784 : vector<16xf32>
      %min3A_832 = arith.minimumf %min3A_786, %max3A_831 : vector<16xf32>
      %max3A_833 = arith.maximumf %gather3A_815, %min3A_786 : vector<16xf32>
      %min3A_834 = arith.minimumf %min3A_788, %max3A_833 : vector<16xf32>
      %add3A_835 = arith.constant 4 : i32
      %add3A_836 = vector.broadcast %add3A_835 : i32 to vector<16xi32>
      %add3A_837 = arith.addi %scan3A_610, %add3A_836 : vector<16xi32>
      %gather3A_838 = tpu.vector_load_idx %arg6[%add3A_12, %add3A_837] : memref<32x125xf32, #tpu.memory_space<vmem>>[vector<16xi32>, vector<16xi32>], vector<16xf32>,
      %min3A_839 = arith.minimumf %min3A_793, %gather3A_838 : vector<16xf32>
      %max3A_840 = arith.maximumf %gather3A_838, %min3A_793 : vector<16xf32>
      %min3A_841 = arith.minimumf %min3A_795, %max3A_840 : vector<16xf32>
      %max3A_842 = arith.maximumf %gather3A_838, %min3A_795 : vector<16xf32>
      %min3A_843 = arith.minimumf %min3A_797, %max3A_842 : vector<16xf32>
      %max3A_844 = arith.maximumf %gather3A_838, %min3A_797 : vector<16xf32>
      %min3A_845 = arith.minimumf %min3A_799, %max3A_844 : vector<16xf32>
      %max3A_846 = arith.maximumf %gather3A_838, %min3A_799 : vector<16xf32>
      %min3A_847 = arith.minimumf %min3A_801, %max3A_846 : vector<16xf32>
      %max3A_848 = arith.maximumf %gather3A_838, %min3A_801 : vector<16xf32>
      %min3A_849 = arith.minimumf %min3A_803, %max3A_848 : vector<16xf32>
      %max3A_850 = arith.maximumf %gather3A_838, %min3A_803 : vector<16xf32>
      %min3A_851 = arith.minimumf %min3A_805, %max3A_850 : vector<16xf32>
      %max3A_852 = arith.maximumf %gather3A_838, %min3A_805 : vector<16xf32>
      %min3A_853 = arith.minimumf %min3A_807, %max3A_852 : vector<16xf32>
      %max3A_854 = arith.maximumf %gather3A_838, %min3A_807 : vector<16xf32>
      %min3A_855 = arith.minimumf %min3A_809, %max3A_854 : vector<16xf32>
      %max3A_856 = arith.maximumf %gather3A_838, %min3A_809 : vector<16xf32>
      %min3A_857 = arith.minimumf %min3A_811, %max3A_856 : vector<16xf32>
      %add3A_858 = arith.constant 5 : i32
      %add3A_859 = vector.broadcast %add3A_858 : i32 to vector<16xi32>
      %add3A_860 = arith.addi %scan3A_610, %add3A_859 : vector<16xi32>
      scf.yield %add3A_860, %min3A_816, %min3A_818, %min3A_820, %min3A_822, %min3A_824, %min3A_826, %min3A_828, %min3A_830, %min3A_832, %min3A_834, %min3A_839, %min3A_841, %min3A_843, %min3A_845, %min3A_847, %min3A_849, %min3A_851, %min3A_853, %min3A_855, %min3A_857 : vector<16xi32>, vector<16xf32>, vector<16xf32>, vector<16xf32>, vector<16xf32>, vector<16xf32>, vector<16xf32>, vector<16xf32>, vector<16xf32>, vector<16xf32>, vector<16xf32>, vector<16xf32>, vector<16xf32>, vector<16xf32>, vector<16xf32>, vector<16xf32>, vector<16xf32>, vector<16xf32>, vector<16xf32>, vector<16xf32>, vector<16xf32>
    }
    %scan3A_58 = arith.constant 25 : i32
    %dma_wait3A = arith.constant 0 : i32
    %dma_wait3A_59 = tpu.memref_slice %arg2[%mul3A_2, %dma_wait3A] : memref<1024x1001xf32, #tpu.memory_space<hbm>> -> memref<32x1001xf32, #tpu.memory_space<hbm>>
    %dma_wait3A_60 = arith.constant 0 : i32
    %dma_wait3A_61 = tpu.memref_slice %arg2[%mul3A_2, %dma_wait3A_60] : memref<1024x1001xf32, #tpu.memory_space<hbm>> -> memref<32x1001xf32, #tpu.memory_space<hbm>>
    tpu.wait_dma2 semaphore(%arg8 : memref<!tpu.dma_semaphore, #tpu.memory_space<semaphore_mem>>) src(%dma_wait3A_61 : memref<32x1001xf32, #tpu.memory_space<hbm>>) dst(%arg5 : memref<32x1001xf32, #tpu.memory_space<vmem>>)
    %broadcast_in_dim3A_62 = arith.constant 1.000000e+30 : f32
    %broadcast_in_dim3A_63 = vector.broadcast %broadcast_in_dim3A_62 : f32 to vector<16xf32>
    %broadcast_in_dim3A_64 = arith.constant 1.000000e+30 : f32
    %broadcast_in_dim3A_65 = vector.broadcast %broadcast_in_dim3A_64 : f32 to vector<16xf32>
    %broadcast_in_dim3A_66 = arith.constant 1.000000e+30 : f32
    %broadcast_in_dim3A_67 = vector.broadcast %broadcast_in_dim3A_66 : f32 to vector<16xf32>
    %broadcast_in_dim3A_68 = arith.constant 1.000000e+30 : f32
    %broadcast_in_dim3A_69 = vector.broadcast %broadcast_in_dim3A_68 : f32 to vector<16xf32>
    %broadcast_in_dim3A_70 = arith.constant 1.000000e+30 : f32
    %broadcast_in_dim3A_71 = vector.broadcast %broadcast_in_dim3A_70 : f32 to vector<16xf32>
    %broadcast_in_dim3A_72 = arith.constant 1.000000e+30 : f32
    %broadcast_in_dim3A_73 = vector.broadcast %broadcast_in_dim3A_72 : f32 to vector<16xf32>
    %broadcast_in_dim3A_74 = arith.constant 1.000000e+30 : f32
    %broadcast_in_dim3A_75 = vector.broadcast %broadcast_in_dim3A_74 : f32 to vector<16xf32>
    %broadcast_in_dim3A_76 = arith.constant 1.000000e+30 : f32
    %broadcast_in_dim3A_77 = vector.broadcast %broadcast_in_dim3A_76 : f32 to vector<16xf32>
    %broadcast_in_dim3A_78 = arith.constant 1.000000e+30 : f32
    %broadcast_in_dim3A_79 = vector.broadcast %broadcast_in_dim3A_78 : f32 to vector<16xf32>
    %broadcast_in_dim3A_80 = arith.constant 1.000000e+30 : f32
    %broadcast_in_dim3A_81 = vector.broadcast %broadcast_in_dim3A_80 : f32 to vector<16xf32>
    %broadcast_in_dim3A_82 = arith.constant 1.000000e+30 : f32
    %broadcast_in_dim3A_83 = vector.broadcast %broadcast_in_dim3A_82 : f32 to vector<16xf32>
    %broadcast_in_dim3A_84 = arith.constant 1.000000e+30 : f32
    %broadcast_in_dim3A_85 = vector.broadcast %broadcast_in_dim3A_84 : f32 to vector<16xf32>
    %broadcast_in_dim3A_86 = arith.constant 1.000000e+30 : f32
    %broadcast_in_dim3A_87 = vector.broadcast %broadcast_in_dim3A_86 : f32 to vector<16xf32>
    %broadcast_in_dim3A_88 = arith.constant 1.000000e+30 : f32
    %broadcast_in_dim3A_89 = vector.broadcast %broadcast_in_dim3A_88 : f32 to vector<16xf32>
    %broadcast_in_dim3A_90 = arith.constant 1.000000e+30 : f32
    %broadcast_in_dim3A_91 = vector.broadcast %broadcast_in_dim3A_90 : f32 to vector<16xf32>
    %broadcast_in_dim3A_92 = arith.constant 1.000000e+30 : f32
    %broadcast_in_dim3A_93 = vector.broadcast %broadcast_in_dim3A_92 : f32 to vector<16xf32>
    %broadcast_in_dim3A_94 = arith.constant 1.000000e+30 : f32
    %broadcast_in_dim3A_95 = vector.broadcast %broadcast_in_dim3A_94 : f32 to vector<16xf32>
    %broadcast_in_dim3A_96 = arith.constant 1.000000e+30 : f32
    %broadcast_in_dim3A_97 = vector.broadcast %broadcast_in_dim3A_96 : f32 to vector<16xf32>
    %broadcast_in_dim3A_98 = arith.constant 1.000000e+30 : f32
    %broadcast_in_dim3A_99 = vector.broadcast %broadcast_in_dim3A_98 : f32 to vector<16xf32>
    %broadcast_in_dim3A_100 = arith.constant 1.000000e+30 : f32
    %broadcast_in_dim3A_101 = vector.broadcast %broadcast_in_dim3A_100 : f32 to vector<16xf32>
    %scan3A_102 = arith.constant 0 : i32
    %scan3A_103 = arith.constant 10 : i32
    %scan3A_104 = arith.addi %scan3A_102, %scan3A_103 : i32
    %scan3A_105 = arith.constant 1 : i32
    %scan3A_106:20 = scf.for %scan3A_609 = %scan3A_102 to %scan3A_104 step %scan3A_105 iter_args(%scan3A_610 = %broadcast_in_dim3A_63, %scan3A_611 = %broadcast_in_dim3A_65, %scan3A_612 = %broadcast_in_dim3A_67, %scan3A_613 = %broadcast_in_dim3A_69, %scan3A_614 = %broadcast_in_dim3A_71, %scan3A_615 = %broadcast_in_dim3A_73, %scan3A_616 = %broadcast_in_dim3A_75, %scan3A_617 = %broadcast_in_dim3A_77, %scan3A_618 = %broadcast_in_dim3A_79, %scan3A_619 = %broadcast_in_dim3A_81, %scan3A_620 = %broadcast_in_dim3A_83, %scan3A_621 = %broadcast_in_dim3A_85, %scan3A_622 = %broadcast_in_dim3A_87, %scan3A_623 = %broadcast_in_dim3A_89, %scan3A_624 = %broadcast_in_dim3A_91, %scan3A_625 = %broadcast_in_dim3A_93, %scan3A_626 = %broadcast_in_dim3A_95, %scan3A_627 = %broadcast_in_dim3A_97, %scan3A_628 = %broadcast_in_dim3A_99, %scan3A_629 = %broadcast_in_dim3A_101) -> (vector<16xf32>, vector<16xf32>, vector<16xf32>, vector<16xf32>, vector<16xf32>, vector<16xf32>, vector<16xf32>, vector<16xf32>, vector<16xf32>, vector<16xf32>, vector<16xf32>, vector<16xf32>, vector<16xf32>, vector<16xf32>, vector<16xf32>, vector<16xf32>, vector<16xf32>, vector<16xf32>, vector<16xf32>, vector<16xf32>)  : i32 {
      %eq3A = arith.constant 1 : i32
      %eq3A_630 = arith.cmpi eq, %scan3A_609, %eq3A : i32
      %select_n3A_631 = arith.select %eq3A_630, %scan3A_57#2, %scan3A_57#1 : vector<16xf32>
      %eq3A_632 = arith.constant 2 : i32
      %eq3A_633 = arith.cmpi eq, %scan3A_609, %eq3A_632 : i32
      %select_n3A_634 = arith.select %eq3A_633, %scan3A_57#3, %select_n3A_631 : vector<16xf32>
      %eq3A_635 = arith.constant 3 : i32
      %eq3A_636 = arith.cmpi eq, %scan3A_609, %eq3A_635 : i32
      %select_n3A_637 = arith.select %eq3A_636, %scan3A_57#4, %select_n3A_634 : vector<16xf32>
      %eq3A_638 = arith.constant 4 : i32
      %eq3A_639 = arith.cmpi eq, %scan3A_609, %eq3A_638 : i32
      %select_n3A_640 = arith.select %eq3A_639, %scan3A_57#5, %select_n3A_637 : vector<16xf32>
      %eq3A_641 = arith.constant 5 : i32
      %eq3A_642 = arith.cmpi eq, %scan3A_609, %eq3A_641 : i32
      %select_n3A_643 = arith.select %eq3A_642, %scan3A_57#6, %select_n3A_640 : vector<16xf32>
      %eq3A_644 = arith.constant 6 : i32
      %eq3A_645 = arith.cmpi eq, %scan3A_609, %eq3A_644 : i32
      %select_n3A_646 = arith.select %eq3A_645, %scan3A_57#7, %select_n3A_643 : vector<16xf32>
      %eq3A_647 = arith.constant 7 : i32
      %eq3A_648 = arith.cmpi eq, %scan3A_609, %eq3A_647 : i32
      %select_n3A_649 = arith.select %eq3A_648, %scan3A_57#8, %select_n3A_646 : vector<16xf32>
      %eq3A_650 = arith.constant 8 : i32
      %eq3A_651 = arith.cmpi eq, %scan3A_609, %eq3A_650 : i32
      %select_n3A_652 = arith.select %eq3A_651, %scan3A_57#9, %select_n3A_649 : vector<16xf32>
      %eq3A_653 = arith.constant 9 : i32
      %eq3A_654 = arith.cmpi eq, %scan3A_609, %eq3A_653 : i32
      %select_n3A_655 = arith.select %eq3A_654, %scan3A_57#10, %select_n3A_652 : vector<16xf32>
      %bitcast3A_656 = vector.bitcast %select_n3A_655 : vector<16xf32> to vector<16xi32>
      %and3A = arith.constant 127 : i32
      %and3A_657 = vector.broadcast %and3A : i32 to vector<16xi32>
      %and3A_658 = arith.andi %bitcast3A_656, %and3A_657 : vector<16xi32>
      %add3A_659 = arith.constant 0 : i32
      %add3A_660 = vector.broadcast %add3A_659 : i32 to vector<16xi32>
      %add3A_661 = arith.addi %and3A_658, %add3A_660 : vector<16xi32>
      %gather3A = tpu.vector_load_idx %arg5[%add3A_8, %add3A_661] : memref<32x1001xf32, #tpu.memory_space<vmem>>[vector<16xi32>, vector<16xi32>], vector<16xf32>,
      %min3A = arith.minimumf %scan3A_610, %gather3A : vector<16xf32>
      %max3A = arith.maximumf %gather3A, %scan3A_610 : vector<16xf32>
      %min3A_662 = arith.minimumf %scan3A_611, %max3A : vector<16xf32>
      %max3A_663 = arith.maximumf %gather3A, %scan3A_611 : vector<16xf32>
      %min3A_664 = arith.minimumf %scan3A_612, %max3A_663 : vector<16xf32>
      %max3A_665 = arith.maximumf %gather3A, %scan3A_612 : vector<16xf32>
      %min3A_666 = arith.minimumf %scan3A_613, %max3A_665 : vector<16xf32>
      %max3A_667 = arith.maximumf %gather3A, %scan3A_613 : vector<16xf32>
      %min3A_668 = arith.minimumf %scan3A_614, %max3A_667 : vector<16xf32>
      %max3A_669 = arith.maximumf %gather3A, %scan3A_614 : vector<16xf32>
      %min3A_670 = arith.minimumf %scan3A_615, %max3A_669 : vector<16xf32>
      %max3A_671 = arith.maximumf %gather3A, %scan3A_615 : vector<16xf32>
      %min3A_672 = arith.minimumf %scan3A_616, %max3A_671 : vector<16xf32>
      %max3A_673 = arith.maximumf %gather3A, %scan3A_616 : vector<16xf32>
      %min3A_674 = arith.minimumf %scan3A_617, %max3A_673 : vector<16xf32>
      %max3A_675 = arith.maximumf %gather3A, %scan3A_617 : vector<16xf32>
      %min3A_676 = arith.minimumf %scan3A_618, %max3A_675 : vector<16xf32>
      %max3A_677 = arith.maximumf %gather3A, %scan3A_618 : vector<16xf32>
      %min3A_678 = arith.minimumf %scan3A_619, %max3A_677 : vector<16xf32>
      %add3A_679 = arith.constant 125 : i32
      %add3A_680 = vector.broadcast %add3A_679 : i32 to vector<16xi32>
      %add3A_681 = arith.addi %and3A_658, %add3A_680 : vector<16xi32>
      %gather3A_682 = tpu.vector_load_idx %arg5[%add3A_8, %add3A_681] : memref<32x1001xf32, #tpu.memory_space<vmem>>[vector<16xi32>, vector<16xi32>], vector<16xf32>,
      %min3A_683 = arith.minimumf %min3A, %gather3A_682 : vector<16xf32>
      %max3A_684 = arith.maximumf %gather3A_682, %min3A : vector<16xf32>
      %min3A_685 = arith.minimumf %min3A_662, %max3A_684 : vector<16xf32>
      %max3A_686 = arith.maximumf %gather3A_682, %min3A_662 : vector<16xf32>
      %min3A_687 = arith.minimumf %min3A_664, %max3A_686 : vector<16xf32>
      %max3A_688 = arith.maximumf %gather3A_682, %min3A_664 : vector<16xf32>
      %min3A_689 = arith.minimumf %min3A_666, %max3A_688 : vector<16xf32>
      %max3A_690 = arith.maximumf %gather3A_682, %min3A_666 : vector<16xf32>
      %min3A_691 = arith.minimumf %min3A_668, %max3A_690 : vector<16xf32>
      %max3A_692 = arith.maximumf %gather3A_682, %min3A_668 : vector<16xf32>
      %min3A_693 = arith.minimumf %min3A_670, %max3A_692 : vector<16xf32>
      %max3A_694 = arith.maximumf %gather3A_682, %min3A_670 : vector<16xf32>
      %min3A_695 = arith.minimumf %min3A_672, %max3A_694 : vector<16xf32>
      %max3A_696 = arith.maximumf %gather3A_682, %min3A_672 : vector<16xf32>
      %min3A_697 = arith.minimumf %min3A_674, %max3A_696 : vector<16xf32>
      %max3A_698 = arith.maximumf %gather3A_682, %min3A_674 : vector<16xf32>
      %min3A_699 = arith.minimumf %min3A_676, %max3A_698 : vector<16xf32>
      %max3A_700 = arith.maximumf %gather3A_682, %min3A_676 : vector<16xf32>
      %min3A_701 = arith.minimumf %min3A_678, %max3A_700 : vector<16xf32>
      %add3A_702 = arith.constant 250 : i32
      %add3A_703 = vector.broadcast %add3A_702 : i32 to vector<16xi32>
      %add3A_704 = arith.addi %and3A_658, %add3A_703 : vector<16xi32>
      %gather3A_705 = tpu.vector_load_idx %arg5[%add3A_8, %add3A_704] : memref<32x1001xf32, #tpu.memory_space<vmem>>[vector<16xi32>, vector<16xi32>], vector<16xf32>,
      %min3A_706 = arith.minimumf %min3A_683, %gather3A_705 : vector<16xf32>
      %max3A_707 = arith.maximumf %gather3A_705, %min3A_683 : vector<16xf32>
      %min3A_708 = arith.minimumf %min3A_685, %max3A_707 : vector<16xf32>
      %max3A_709 = arith.maximumf %gather3A_705, %min3A_685 : vector<16xf32>
      %min3A_710 = arith.minimumf %min3A_687, %max3A_709 : vector<16xf32>
      %max3A_711 = arith.maximumf %gather3A_705, %min3A_687 : vector<16xf32>
      %min3A_712 = arith.minimumf %min3A_689, %max3A_711 : vector<16xf32>
      %max3A_713 = arith.maximumf %gather3A_705, %min3A_689 : vector<16xf32>
      %min3A_714 = arith.minimumf %min3A_691, %max3A_713 : vector<16xf32>
      %max3A_715 = arith.maximumf %gather3A_705, %min3A_691 : vector<16xf32>
      %min3A_716 = arith.minimumf %min3A_693, %max3A_715 : vector<16xf32>
      %max3A_717 = arith.maximumf %gather3A_705, %min3A_693 : vector<16xf32>
      %min3A_718 = arith.minimumf %min3A_695, %max3A_717 : vector<16xf32>
      %max3A_719 = arith.maximumf %gather3A_705, %min3A_695 : vector<16xf32>
      %min3A_720 = arith.minimumf %min3A_697, %max3A_719 : vector<16xf32>
      %max3A_721 = arith.maximumf %gather3A_705, %min3A_697 : vector<16xf32>
      %min3A_722 = arith.minimumf %min3A_699, %max3A_721 : vector<16xf32>
      %max3A_723 = arith.maximumf %gather3A_705, %min3A_699 : vector<16xf32>
      %min3A_724 = arith.minimumf %min3A_701, %max3A_723 : vector<16xf32>
      %add3A_725 = arith.constant 375 : i32
      %add3A_726 = vector.broadcast %add3A_725 : i32 to vector<16xi32>
      %add3A_727 = arith.addi %and3A_658, %add3A_726 : vector<16xi32>
      %gather3A_728 = tpu.vector_load_idx %arg5[%add3A_8, %add3A_727] : memref<32x1001xf32, #tpu.memory_space<vmem>>[vector<16xi32>, vector<16xi32>], vector<16xf32>,
      %min3A_729 = arith.minimumf %min3A_706, %gather3A_728 : vector<16xf32>
      %max3A_730 = arith.maximumf %gather3A_728, %min3A_706 : vector<16xf32>
      %min3A_731 = arith.minimumf %min3A_708, %max3A_730 : vector<16xf32>
      %max3A_732 = arith.maximumf %gather3A_728, %min3A_708 : vector<16xf32>
      %min3A_733 = arith.minimumf %min3A_710, %max3A_732 : vector<16xf32>
      %max3A_734 = arith.maximumf %gather3A_728, %min3A_710 : vector<16xf32>
      %min3A_735 = arith.minimumf %min3A_712, %max3A_734 : vector<16xf32>
      %max3A_736 = arith.maximumf %gather3A_728, %min3A_712 : vector<16xf32>
      %min3A_737 = arith.minimumf %min3A_714, %max3A_736 : vector<16xf32>
      %max3A_738 = arith.maximumf %gather3A_728, %min3A_714 : vector<16xf32>
      %min3A_739 = arith.minimumf %min3A_716, %max3A_738 : vector<16xf32>
      %max3A_740 = arith.maximumf %gather3A_728, %min3A_716 : vector<16xf32>
      %min3A_741 = arith.minimumf %min3A_718, %max3A_740 : vector<16xf32>
      %max3A_742 = arith.maximumf %gather3A_728, %min3A_718 : vector<16xf32>
      %min3A_743 = arith.minimumf %min3A_720, %max3A_742 : vector<16xf32>
      %max3A_744 = arith.maximumf %gather3A_728, %min3A_720 : vector<16xf32>
      %min3A_745 = arith.minimumf %min3A_722, %max3A_744 : vector<16xf32>
      %max3A_746 = arith.maximumf %gather3A_728, %min3A_722 : vector<16xf32>
      %min3A_747 = arith.minimumf %min3A_724, %max3A_746 : vector<16xf32>
      %add3A_748 = arith.constant 500 : i32
      %add3A_749 = vector.broadcast %add3A_748 : i32 to vector<16xi32>
      %add3A_750 = arith.addi %and3A_658, %add3A_749 : vector<16xi32>
      %gather3A_751 = tpu.vector_load_idx %arg5[%add3A_8, %add3A_750] : memref<32x1001xf32, #tpu.memory_space<vmem>>[vector<16xi32>, vector<16xi32>], vector<16xf32>,
      %min3A_752 = arith.minimumf %min3A_729, %gather3A_751 : vector<16xf32>
      %max3A_753 = arith.maximumf %gather3A_751, %min3A_729 : vector<16xf32>
      %min3A_754 = arith.minimumf %min3A_731, %max3A_753 : vector<16xf32>
      %max3A_755 = arith.maximumf %gather3A_751, %min3A_731 : vector<16xf32>
      %min3A_756 = arith.minimumf %min3A_733, %max3A_755 : vector<16xf32>
      %max3A_757 = arith.maximumf %gather3A_751, %min3A_733 : vector<16xf32>
      %min3A_758 = arith.minimumf %min3A_735, %max3A_757 : vector<16xf32>
      %max3A_759 = arith.maximumf %gather3A_751, %min3A_735 : vector<16xf32>
      %min3A_760 = arith.minimumf %min3A_737, %max3A_759 : vector<16xf32>
      %max3A_761 = arith.maximumf %gather3A_751, %min3A_737 : vector<16xf32>
      %min3A_762 = arith.minimumf %min3A_739, %max3A_761 : vector<16xf32>
      %max3A_763 = arith.maximumf %gather3A_751, %min3A_739 : vector<16xf32>
      %min3A_764 = arith.minimumf %min3A_741, %max3A_763 : vector<16xf32>
      %max3A_765 = arith.maximumf %gather3A_751, %min3A_741 : vector<16xf32>
      %min3A_766 = arith.minimumf %min3A_743, %max3A_765 : vector<16xf32>
      %max3A_767 = arith.maximumf %gather3A_751, %min3A_743 : vector<16xf32>
      %min3A_768 = arith.minimumf %min3A_745, %max3A_767 : vector<16xf32>
      %max3A_769 = arith.maximumf %gather3A_751, %min3A_745 : vector<16xf32>
      %min3A_770 = arith.minimumf %min3A_747, %max3A_769 : vector<16xf32>
      %add3A_771 = arith.constant 625 : i32
      %add3A_772 = vector.broadcast %add3A_771 : i32 to vector<16xi32>
      %add3A_773 = arith.addi %and3A_658, %add3A_772 : vector<16xi32>
      %gather3A_774 = tpu.vector_load_idx %arg5[%add3A_8, %add3A_773] : memref<32x1001xf32, #tpu.memory_space<vmem>>[vector<16xi32>, vector<16xi32>], vector<16xf32>,
      %min3A_775 = arith.minimumf %min3A_752, %gather3A_774 : vector<16xf32>
      %max3A_776 = arith.maximumf %gather3A_774, %min3A_752 : vector<16xf32>
      %min3A_777 = arith.minimumf %min3A_754, %max3A_776 : vector<16xf32>
      %max3A_778 = arith.maximumf %gather3A_774, %min3A_754 : vector<16xf32>
      %min3A_779 = arith.minimumf %min3A_756, %max3A_778 : vector<16xf32>
      %max3A_780 = arith.maximumf %gather3A_774, %min3A_756 : vector<16xf32>
      %min3A_781 = arith.minimumf %min3A_758, %max3A_780 : vector<16xf32>
      %max3A_782 = arith.maximumf %gather3A_774, %min3A_758 : vector<16xf32>
      %min3A_783 = arith.minimumf %min3A_760, %max3A_782 : vector<16xf32>
      %max3A_784 = arith.maximumf %gather3A_774, %min3A_760 : vector<16xf32>
      %min3A_785 = arith.minimumf %min3A_762, %max3A_784 : vector<16xf32>
      %max3A_786 = arith.maximumf %gather3A_774, %min3A_762 : vector<16xf32>
      %min3A_787 = arith.minimumf %min3A_764, %max3A_786 : vector<16xf32>
      %max3A_788 = arith.maximumf %gather3A_774, %min3A_764 : vector<16xf32>
      %min3A_789 = arith.minimumf %min3A_766, %max3A_788 : vector<16xf32>
      %max3A_790 = arith.maximumf %gather3A_774, %min3A_766 : vector<16xf32>
      %min3A_791 = arith.minimumf %min3A_768, %max3A_790 : vector<16xf32>
      %max3A_792 = arith.maximumf %gather3A_774, %min3A_768 : vector<16xf32>
      %min3A_793 = arith.minimumf %min3A_770, %max3A_792 : vector<16xf32>
      %add3A_794 = arith.constant 750 : i32
      %add3A_795 = vector.broadcast %add3A_794 : i32 to vector<16xi32>
      %add3A_796 = arith.addi %and3A_658, %add3A_795 : vector<16xi32>
      %gather3A_797 = tpu.vector_load_idx %arg5[%add3A_8, %add3A_796] : memref<32x1001xf32, #tpu.memory_space<vmem>>[vector<16xi32>, vector<16xi32>], vector<16xf32>,
      %min3A_798 = arith.minimumf %min3A_775, %gather3A_797 : vector<16xf32>
      %max3A_799 = arith.maximumf %gather3A_797, %min3A_775 : vector<16xf32>
      %min3A_800 = arith.minimumf %min3A_777, %max3A_799 : vector<16xf32>
      %max3A_801 = arith.maximumf %gather3A_797, %min3A_777 : vector<16xf32>
      %min3A_802 = arith.minimumf %min3A_779, %max3A_801 : vector<16xf32>
      %max3A_803 = arith.maximumf %gather3A_797, %min3A_779 : vector<16xf32>
      %min3A_804 = arith.minimumf %min3A_781, %max3A_803 : vector<16xf32>
      %max3A_805 = arith.maximumf %gather3A_797, %min3A_781 : vector<16xf32>
      %min3A_806 = arith.minimumf %min3A_783, %max3A_805 : vector<16xf32>
      %max3A_807 = arith.maximumf %gather3A_797, %min3A_783 : vector<16xf32>
      %min3A_808 = arith.minimumf %min3A_785, %max3A_807 : vector<16xf32>
      %max3A_809 = arith.maximumf %gather3A_797, %min3A_785 : vector<16xf32>
      %min3A_810 = arith.minimumf %min3A_787, %max3A_809 : vector<16xf32>
      %max3A_811 = arith.maximumf %gather3A_797, %min3A_787 : vector<16xf32>
      %min3A_812 = arith.minimumf %min3A_789, %max3A_811 : vector<16xf32>
      %max3A_813 = arith.maximumf %gather3A_797, %min3A_789 : vector<16xf32>
      %min3A_814 = arith.minimumf %min3A_791, %max3A_813 : vector<16xf32>
      %max3A_815 = arith.maximumf %gather3A_797, %min3A_791 : vector<16xf32>
      %min3A_816 = arith.minimumf %min3A_793, %max3A_815 : vector<16xf32>
      %add3A_817 = arith.constant 875 : i32
      %add3A_818 = vector.broadcast %add3A_817 : i32 to vector<16xi32>
      %add3A_819 = arith.addi %and3A_658, %add3A_818 : vector<16xi32>
      %gather3A_820 = tpu.vector_load_idx %arg5[%add3A_8, %add3A_819] : memref<32x1001xf32, #tpu.memory_space<vmem>>[vector<16xi32>, vector<16xi32>], vector<16xf32>,
      %min3A_821 = arith.minimumf %min3A_798, %gather3A_820 : vector<16xf32>
      %max3A_822 = arith.maximumf %gather3A_820, %min3A_798 : vector<16xf32>
      %min3A_823 = arith.minimumf %min3A_800, %max3A_822 : vector<16xf32>
      %max3A_824 = arith.maximumf %gather3A_820, %min3A_800 : vector<16xf32>
      %min3A_825 = arith.minimumf %min3A_802, %max3A_824 : vector<16xf32>
      %max3A_826 = arith.maximumf %gather3A_820, %min3A_802 : vector<16xf32>
      %min3A_827 = arith.minimumf %min3A_804, %max3A_826 : vector<16xf32>
      %max3A_828 = arith.maximumf %gather3A_820, %min3A_804 : vector<16xf32>
      %min3A_829 = arith.minimumf %min3A_806, %max3A_828 : vector<16xf32>
      %max3A_830 = arith.maximumf %gather3A_820, %min3A_806 : vector<16xf32>
      %min3A_831 = arith.minimumf %min3A_808, %max3A_830 : vector<16xf32>
      %max3A_832 = arith.maximumf %gather3A_820, %min3A_808 : vector<16xf32>
      %min3A_833 = arith.minimumf %min3A_810, %max3A_832 : vector<16xf32>
      %max3A_834 = arith.maximumf %gather3A_820, %min3A_810 : vector<16xf32>
      %min3A_835 = arith.minimumf %min3A_812, %max3A_834 : vector<16xf32>
      %max3A_836 = arith.maximumf %gather3A_820, %min3A_812 : vector<16xf32>
      %min3A_837 = arith.minimumf %min3A_814, %max3A_836 : vector<16xf32>
      %max3A_838 = arith.maximumf %gather3A_820, %min3A_814 : vector<16xf32>
      %min3A_839 = arith.minimumf %min3A_816, %max3A_838 : vector<16xf32>
      %eq3A_840 = arith.constant 1 : i32
      %eq3A_841 = arith.cmpi eq, %scan3A_609, %eq3A_840 : i32
      %select_n3A_842 = arith.select %eq3A_841, %scan3A_57#12, %scan3A_57#11 : vector<16xf32>
      %eq3A_843 = arith.constant 2 : i32
      %eq3A_844 = arith.cmpi eq, %scan3A_609, %eq3A_843 : i32
      %select_n3A_845 = arith.select %eq3A_844, %scan3A_57#13, %select_n3A_842 : vector<16xf32>
      %eq3A_846 = arith.constant 3 : i32
      %eq3A_847 = arith.cmpi eq, %scan3A_609, %eq3A_846 : i32
      %select_n3A_848 = arith.select %eq3A_847, %scan3A_57#14, %select_n3A_845 : vector<16xf32>
      %eq3A_849 = arith.constant 4 : i32
      %eq3A_850 = arith.cmpi eq, %scan3A_609, %eq3A_849 : i32
      %select_n3A_851 = arith.select %eq3A_850, %scan3A_57#15, %select_n3A_848 : vector<16xf32>
      %eq3A_852 = arith.constant 5 : i32
      %eq3A_853 = arith.cmpi eq, %scan3A_609, %eq3A_852 : i32
      %select_n3A_854 = arith.select %eq3A_853, %scan3A_57#16, %select_n3A_851 : vector<16xf32>
      %eq3A_855 = arith.constant 6 : i32
      %eq3A_856 = arith.cmpi eq, %scan3A_609, %eq3A_855 : i32
      %select_n3A_857 = arith.select %eq3A_856, %scan3A_57#17, %select_n3A_854 : vector<16xf32>
      %eq3A_858 = arith.constant 7 : i32
      %eq3A_859 = arith.cmpi eq, %scan3A_609, %eq3A_858 : i32
      %select_n3A_860 = arith.select %eq3A_859, %scan3A_57#18, %select_n3A_857 : vector<16xf32>
      %eq3A_861 = arith.constant 8 : i32
      %eq3A_862 = arith.cmpi eq, %scan3A_609, %eq3A_861 : i32
      %select_n3A_863 = arith.select %eq3A_862, %scan3A_57#19, %select_n3A_860 : vector<16xf32>
      %eq3A_864 = arith.constant 9 : i32
      %eq3A_865 = arith.cmpi eq, %scan3A_609, %eq3A_864 : i32
      %select_n3A_866 = arith.select %eq3A_865, %scan3A_57#20, %select_n3A_863 : vector<16xf32>
      %bitcast3A_867 = vector.bitcast %select_n3A_866 : vector<16xf32> to vector<16xi32>
      %and3A_868 = arith.constant 127 : i32
      %and3A_869 = vector.broadcast %and3A_868 : i32 to vector<16xi32>
      %and3A_870 = arith.andi %bitcast3A_867, %and3A_869 : vector<16xi32>
      %add3A_871 = arith.constant 0 : i32
      %add3A_872 = vector.broadcast %add3A_871 : i32 to vector<16xi32>
      %add3A_873 = arith.addi %and3A_870, %add3A_872 : vector<16xi32>
      %gather3A_874 = tpu.vector_load_idx %arg5[%add3A_12, %add3A_873] : memref<32x1001xf32, #tpu.memory_space<vmem>>[vector<16xi32>, vector<16xi32>], vector<16xf32>,
      %min3A_875 = arith.minimumf %scan3A_620, %gather3A_874 : vector<16xf32>
      %max3A_876 = arith.maximumf %gather3A_874, %scan3A_620 : vector<16xf32>
      %min3A_877 = arith.minimumf %scan3A_621, %max3A_876 : vector<16xf32>
      %max3A_878 = arith.maximumf %gather3A_874, %scan3A_621 : vector<16xf32>
      %min3A_879 = arith.minimumf %scan3A_622, %max3A_878 : vector<16xf32>
      %max3A_880 = arith.maximumf %gather3A_874, %scan3A_622 : vector<16xf32>
      %min3A_881 = arith.minimumf %scan3A_623, %max3A_880 : vector<16xf32>
      %max3A_882 = arith.maximumf %gather3A_874, %scan3A_623 : vector<16xf32>
      %min3A_883 = arith.minimumf %scan3A_624, %max3A_882 : vector<16xf32>
      %max3A_884 = arith.maximumf %gather3A_874, %scan3A_624 : vector<16xf32>
      %min3A_885 = arith.minimumf %scan3A_625, %max3A_884 : vector<16xf32>
      %max3A_886 = arith.maximumf %gather3A_874, %scan3A_625 : vector<16xf32>
      %min3A_887 = arith.minimumf %scan3A_626, %max3A_886 : vector<16xf32>
      %max3A_888 = arith.maximumf %gather3A_874, %scan3A_626 : vector<16xf32>
      %min3A_889 = arith.minimumf %scan3A_627, %max3A_888 : vector<16xf32>
      %max3A_890 = arith.maximumf %gather3A_874, %scan3A_627 : vector<16xf32>
      %min3A_891 = arith.minimumf %scan3A_628, %max3A_890 : vector<16xf32>
      %max3A_892 = arith.maximumf %gather3A_874, %scan3A_628 : vector<16xf32>
      %min3A_893 = arith.minimumf %scan3A_629, %max3A_892 : vector<16xf32>
      %add3A_894 = arith.constant 125 : i32
      %add3A_895 = vector.broadcast %add3A_894 : i32 to vector<16xi32>
      %add3A_896 = arith.addi %and3A_870, %add3A_895 : vector<16xi32>
      %gather3A_897 = tpu.vector_load_idx %arg5[%add3A_12, %add3A_896] : memref<32x1001xf32, #tpu.memory_space<vmem>>[vector<16xi32>, vector<16xi32>], vector<16xf32>,
      %min3A_898 = arith.minimumf %min3A_875, %gather3A_897 : vector<16xf32>
      %max3A_899 = arith.maximumf %gather3A_897, %min3A_875 : vector<16xf32>
      %min3A_900 = arith.minimumf %min3A_877, %max3A_899 : vector<16xf32>
      %max3A_901 = arith.maximumf %gather3A_897, %min3A_877 : vector<16xf32>
      %min3A_902 = arith.minimumf %min3A_879, %max3A_901 : vector<16xf32>
      %max3A_903 = arith.maximumf %gather3A_897, %min3A_879 : vector<16xf32>
      %min3A_904 = arith.minimumf %min3A_881, %max3A_903 : vector<16xf32>
      %max3A_905 = arith.maximumf %gather3A_897, %min3A_881 : vector<16xf32>
      %min3A_906 = arith.minimumf %min3A_883, %max3A_905 : vector<16xf32>
      %max3A_907 = arith.maximumf %gather3A_897, %min3A_883 : vector<16xf32>
      %min3A_908 = arith.minimumf %min3A_885, %max3A_907 : vector<16xf32>
      %max3A_909 = arith.maximumf %gather3A_897, %min3A_885 : vector<16xf32>
      %min3A_910 = arith.minimumf %min3A_887, %max3A_909 : vector<16xf32>
      %max3A_911 = arith.maximumf %gather3A_897, %min3A_887 : vector<16xf32>
      %min3A_912 = arith.minimumf %min3A_889, %max3A_911 : vector<16xf32>
      %max3A_913 = arith.maximumf %gather3A_897, %min3A_889 : vector<16xf32>
      %min3A_914 = arith.minimumf %min3A_891, %max3A_913 : vector<16xf32>
      %max3A_915 = arith.maximumf %gather3A_897, %min3A_891 : vector<16xf32>
      %min3A_916 = arith.minimumf %min3A_893, %max3A_915 : vector<16xf32>
      %add3A_917 = arith.constant 250 : i32
      %add3A_918 = vector.broadcast %add3A_917 : i32 to vector<16xi32>
      %add3A_919 = arith.addi %and3A_870, %add3A_918 : vector<16xi32>
      %gather3A_920 = tpu.vector_load_idx %arg5[%add3A_12, %add3A_919] : memref<32x1001xf32, #tpu.memory_space<vmem>>[vector<16xi32>, vector<16xi32>], vector<16xf32>,
      %min3A_921 = arith.minimumf %min3A_898, %gather3A_920 : vector<16xf32>
      %max3A_922 = arith.maximumf %gather3A_920, %min3A_898 : vector<16xf32>
      %min3A_923 = arith.minimumf %min3A_900, %max3A_922 : vector<16xf32>
      %max3A_924 = arith.maximumf %gather3A_920, %min3A_900 : vector<16xf32>
      %min3A_925 = arith.minimumf %min3A_902, %max3A_924 : vector<16xf32>
      %max3A_926 = arith.maximumf %gather3A_920, %min3A_902 : vector<16xf32>
      %min3A_927 = arith.minimumf %min3A_904, %max3A_926 : vector<16xf32>
      %max3A_928 = arith.maximumf %gather3A_920, %min3A_904 : vector<16xf32>
      %min3A_929 = arith.minimumf %min3A_906, %max3A_928 : vector<16xf32>
      %max3A_930 = arith.maximumf %gather3A_920, %min3A_906 : vector<16xf32>
      %min3A_931 = arith.minimumf %min3A_908, %max3A_930 : vector<16xf32>
      %max3A_932 = arith.maximumf %gather3A_920, %min3A_908 : vector<16xf32>
      %min3A_933 = arith.minimumf %min3A_910, %max3A_932 : vector<16xf32>
      %max3A_934 = arith.maximumf %gather3A_920, %min3A_910 : vector<16xf32>
      %min3A_935 = arith.minimumf %min3A_912, %max3A_934 : vector<16xf32>
      %max3A_936 = arith.maximumf %gather3A_920, %min3A_912 : vector<16xf32>
      %min3A_937 = arith.minimumf %min3A_914, %max3A_936 : vector<16xf32>
      %max3A_938 = arith.maximumf %gather3A_920, %min3A_914 : vector<16xf32>
      %min3A_939 = arith.minimumf %min3A_916, %max3A_938 : vector<16xf32>
      %add3A_940 = arith.constant 375 : i32
      %add3A_941 = vector.broadcast %add3A_940 : i32 to vector<16xi32>
      %add3A_942 = arith.addi %and3A_870, %add3A_941 : vector<16xi32>
      %gather3A_943 = tpu.vector_load_idx %arg5[%add3A_12, %add3A_942] : memref<32x1001xf32, #tpu.memory_space<vmem>>[vector<16xi32>, vector<16xi32>], vector<16xf32>,
      %min3A_944 = arith.minimumf %min3A_921, %gather3A_943 : vector<16xf32>
      %max3A_945 = arith.maximumf %gather3A_943, %min3A_921 : vector<16xf32>
      %min3A_946 = arith.minimumf %min3A_923, %max3A_945 : vector<16xf32>
      %max3A_947 = arith.maximumf %gather3A_943, %min3A_923 : vector<16xf32>
      %min3A_948 = arith.minimumf %min3A_925, %max3A_947 : vector<16xf32>
      %max3A_949 = arith.maximumf %gather3A_943, %min3A_925 : vector<16xf32>
      %min3A_950 = arith.minimumf %min3A_927, %max3A_949 : vector<16xf32>
      %max3A_951 = arith.maximumf %gather3A_943, %min3A_927 : vector<16xf32>
      %min3A_952 = arith.minimumf %min3A_929, %max3A_951 : vector<16xf32>
      %max3A_953 = arith.maximumf %gather3A_943, %min3A_929 : vector<16xf32>
      %min3A_954 = arith.minimumf %min3A_931, %max3A_953 : vector<16xf32>
      %max3A_955 = arith.maximumf %gather3A_943, %min3A_931 : vector<16xf32>
      %min3A_956 = arith.minimumf %min3A_933, %max3A_955 : vector<16xf32>
      %max3A_957 = arith.maximumf %gather3A_943, %min3A_933 : vector<16xf32>
      %min3A_958 = arith.minimumf %min3A_935, %max3A_957 : vector<16xf32>
      %max3A_959 = arith.maximumf %gather3A_943, %min3A_935 : vector<16xf32>
      %min3A_960 = arith.minimumf %min3A_937, %max3A_959 : vector<16xf32>
      %max3A_961 = arith.maximumf %gather3A_943, %min3A_937 : vector<16xf32>
      %min3A_962 = arith.minimumf %min3A_939, %max3A_961 : vector<16xf32>
      %add3A_963 = arith.constant 500 : i32
      %add3A_964 = vector.broadcast %add3A_963 : i32 to vector<16xi32>
      %add3A_965 = arith.addi %and3A_870, %add3A_964 : vector<16xi32>
      %gather3A_966 = tpu.vector_load_idx %arg5[%add3A_12, %add3A_965] : memref<32x1001xf32, #tpu.memory_space<vmem>>[vector<16xi32>, vector<16xi32>], vector<16xf32>,
      %min3A_967 = arith.minimumf %min3A_944, %gather3A_966 : vector<16xf32>
      %max3A_968 = arith.maximumf %gather3A_966, %min3A_944 : vector<16xf32>
      %min3A_969 = arith.minimumf %min3A_946, %max3A_968 : vector<16xf32>
      %max3A_970 = arith.maximumf %gather3A_966, %min3A_946 : vector<16xf32>
      %min3A_971 = arith.minimumf %min3A_948, %max3A_970 : vector<16xf32>
      %max3A_972 = arith.maximumf %gather3A_966, %min3A_948 : vector<16xf32>
      %min3A_973 = arith.minimumf %min3A_950, %max3A_972 : vector<16xf32>
      %max3A_974 = arith.maximumf %gather3A_966, %min3A_950 : vector<16xf32>
      %min3A_975 = arith.minimumf %min3A_952, %max3A_974 : vector<16xf32>
      %max3A_976 = arith.maximumf %gather3A_966, %min3A_952 : vector<16xf32>
      %min3A_977 = arith.minimumf %min3A_954, %max3A_976 : vector<16xf32>
      %max3A_978 = arith.maximumf %gather3A_966, %min3A_954 : vector<16xf32>
      %min3A_979 = arith.minimumf %min3A_956, %max3A_978 : vector<16xf32>
      %max3A_980 = arith.maximumf %gather3A_966, %min3A_956 : vector<16xf32>
      %min3A_981 = arith.minimumf %min3A_958, %max3A_980 : vector<16xf32>
      %max3A_982 = arith.maximumf %gather3A_966, %min3A_958 : vector<16xf32>
      %min3A_983 = arith.minimumf %min3A_960, %max3A_982 : vector<16xf32>
      %max3A_984 = arith.maximumf %gather3A_966, %min3A_960 : vector<16xf32>
      %min3A_985 = arith.minimumf %min3A_962, %max3A_984 : vector<16xf32>
      %add3A_986 = arith.constant 625 : i32
      %add3A_987 = vector.broadcast %add3A_986 : i32 to vector<16xi32>
      %add3A_988 = arith.addi %and3A_870, %add3A_987 : vector<16xi32>
      %gather3A_989 = tpu.vector_load_idx %arg5[%add3A_12, %add3A_988] : memref<32x1001xf32, #tpu.memory_space<vmem>>[vector<16xi32>, vector<16xi32>], vector<16xf32>,
      %min3A_990 = arith.minimumf %min3A_967, %gather3A_989 : vector<16xf32>
      %max3A_991 = arith.maximumf %gather3A_989, %min3A_967 : vector<16xf32>
      %min3A_992 = arith.minimumf %min3A_969, %max3A_991 : vector<16xf32>
      %max3A_993 = arith.maximumf %gather3A_989, %min3A_969 : vector<16xf32>
      %min3A_994 = arith.minimumf %min3A_971, %max3A_993 : vector<16xf32>
      %max3A_995 = arith.maximumf %gather3A_989, %min3A_971 : vector<16xf32>
      %min3A_996 = arith.minimumf %min3A_973, %max3A_995 : vector<16xf32>
      %max3A_997 = arith.maximumf %gather3A_989, %min3A_973 : vector<16xf32>
      %min3A_998 = arith.minimumf %min3A_975, %max3A_997 : vector<16xf32>
      %max3A_999 = arith.maximumf %gather3A_989, %min3A_975 : vector<16xf32>
      %min3A_1000 = arith.minimumf %min3A_977, %max3A_999 : vector<16xf32>
      %max3A_1001 = arith.maximumf %gather3A_989, %min3A_977 : vector<16xf32>
      %min3A_1002 = arith.minimumf %min3A_979, %max3A_1001 : vector<16xf32>
      %max3A_1003 = arith.maximumf %gather3A_989, %min3A_979 : vector<16xf32>
      %min3A_1004 = arith.minimumf %min3A_981, %max3A_1003 : vector<16xf32>
      %max3A_1005 = arith.maximumf %gather3A_989, %min3A_981 : vector<16xf32>
      %min3A_1006 = arith.minimumf %min3A_983, %max3A_1005 : vector<16xf32>
      %max3A_1007 = arith.maximumf %gather3A_989, %min3A_983 : vector<16xf32>
      %min3A_1008 = arith.minimumf %min3A_985, %max3A_1007 : vector<16xf32>
      %add3A_1009 = arith.constant 750 : i32
      %add3A_1010 = vector.broadcast %add3A_1009 : i32 to vector<16xi32>
      %add3A_1011 = arith.addi %and3A_870, %add3A_1010 : vector<16xi32>
      %gather3A_1012 = tpu.vector_load_idx %arg5[%add3A_12, %add3A_1011] : memref<32x1001xf32, #tpu.memory_space<vmem>>[vector<16xi32>, vector<16xi32>], vector<16xf32>,
      %min3A_1013 = arith.minimumf %min3A_990, %gather3A_1012 : vector<16xf32>
      %max3A_1014 = arith.maximumf %gather3A_1012, %min3A_990 : vector<16xf32>
      %min3A_1015 = arith.minimumf %min3A_992, %max3A_1014 : vector<16xf32>
      %max3A_1016 = arith.maximumf %gather3A_1012, %min3A_992 : vector<16xf32>
      %min3A_1017 = arith.minimumf %min3A_994, %max3A_1016 : vector<16xf32>
      %max3A_1018 = arith.maximumf %gather3A_1012, %min3A_994 : vector<16xf32>
      %min3A_1019 = arith.minimumf %min3A_996, %max3A_1018 : vector<16xf32>
      %max3A_1020 = arith.maximumf %gather3A_1012, %min3A_996 : vector<16xf32>
      %min3A_1021 = arith.minimumf %min3A_998, %max3A_1020 : vector<16xf32>
      %max3A_1022 = arith.maximumf %gather3A_1012, %min3A_998 : vector<16xf32>
      %min3A_1023 = arith.minimumf %min3A_1000, %max3A_1022 : vector<16xf32>
      %max3A_1024 = arith.maximumf %gather3A_1012, %min3A_1000 : vector<16xf32>
      %min3A_1025 = arith.minimumf %min3A_1002, %max3A_1024 : vector<16xf32>
      %max3A_1026 = arith.maximumf %gather3A_1012, %min3A_1002 : vector<16xf32>
      %min3A_1027 = arith.minimumf %min3A_1004, %max3A_1026 : vector<16xf32>
      %max3A_1028 = arith.maximumf %gather3A_1012, %min3A_1004 : vector<16xf32>
      %min3A_1029 = arith.minimumf %min3A_1006, %max3A_1028 : vector<16xf32>
      %max3A_1030 = arith.maximumf %gather3A_1012, %min3A_1006 : vector<16xf32>
      %min3A_1031 = arith.minimumf %min3A_1008, %max3A_1030 : vector<16xf32>
      %add3A_1032 = arith.constant 875 : i32
      %add3A_1033 = vector.broadcast %add3A_1032 : i32 to vector<16xi32>
      %add3A_1034 = arith.addi %and3A_870, %add3A_1033 : vector<16xi32>
      %gather3A_1035 = tpu.vector_load_idx %arg5[%add3A_12, %add3A_1034] : memref<32x1001xf32, #tpu.memory_space<vmem>>[vector<16xi32>, vector<16xi32>], vector<16xf32>,
      %min3A_1036 = arith.minimumf %min3A_1013, %gather3A_1035 : vector<16xf32>
      %max3A_1037 = arith.maximumf %gather3A_1035, %min3A_1013 : vector<16xf32>
      %min3A_1038 = arith.minimumf %min3A_1015, %max3A_1037 : vector<16xf32>
      %max3A_1039 = arith.maximumf %gather3A_1035, %min3A_1015 : vector<16xf32>
      %min3A_1040 = arith.minimumf %min3A_1017, %max3A_1039 : vector<16xf32>
      %max3A_1041 = arith.maximumf %gather3A_1035, %min3A_1017 : vector<16xf32>
      %min3A_1042 = arith.minimumf %min3A_1019, %max3A_1041 : vector<16xf32>
      %max3A_1043 = arith.maximumf %gather3A_1035, %min3A_1019 : vector<16xf32>
      %min3A_1044 = arith.minimumf %min3A_1021, %max3A_1043 : vector<16xf32>
      %max3A_1045 = arith.maximumf %gather3A_1035, %min3A_1021 : vector<16xf32>
      %min3A_1046 = arith.minimumf %min3A_1023, %max3A_1045 : vector<16xf32>
      %max3A_1047 = arith.maximumf %gather3A_1035, %min3A_1023 : vector<16xf32>
      %min3A_1048 = arith.minimumf %min3A_1025, %max3A_1047 : vector<16xf32>
      %max3A_1049 = arith.maximumf %gather3A_1035, %min3A_1025 : vector<16xf32>
      %min3A_1050 = arith.minimumf %min3A_1027, %max3A_1049 : vector<16xf32>
      %max3A_1051 = arith.maximumf %gather3A_1035, %min3A_1027 : vector<16xf32>
      %min3A_1052 = arith.minimumf %min3A_1029, %max3A_1051 : vector<16xf32>
      %max3A_1053 = arith.maximumf %gather3A_1035, %min3A_1029 : vector<16xf32>
      %min3A_1054 = arith.minimumf %min3A_1031, %max3A_1053 : vector<16xf32>
      scf.yield %min3A_821, %min3A_823, %min3A_825, %min3A_827, %min3A_829, %min3A_831, %min3A_833, %min3A_835, %min3A_837, %min3A_839, %min3A_1036, %min3A_1038, %min3A_1040, %min3A_1042, %min3A_1044, %min3A_1046, %min3A_1048, %min3A_1050, %min3A_1052, %min3A_1054 : vector<16xf32>, vector<16xf32>, vector<16xf32>, vector<16xf32>, vector<16xf32>, vector<16xf32>, vector<16xf32>, vector<16xf32>, vector<16xf32>, vector<16xf32>, vector<16xf32>, vector<16xf32>, vector<16xf32>, vector<16xf32>, vector<16xf32>, vector<16xf32>, vector<16xf32>, vector<16xf32>, vector<16xf32>, vector<16xf32>
    }
    %scan3A_107 = arith.constant 10 : i32
    %bitcast3A = vector.bitcast %scan3A_106#0 : vector<16xf32> to vector<16xi32>
    %shift_right_arithmetic3A = arith.constant 1 : i32
    %shift_right_arithmetic3A_108 = vector.broadcast %shift_right_arithmetic3A : i32 to vector<16xi32>
    %shift_right_arithmetic3A_109 = arith.shrsi %bitcast3A, %shift_right_arithmetic3A_108 : vector<16xi32>
    %add3A_110 = arith.constant 532487669 : i32
    %add3A_111 = vector.broadcast %add3A_110 : i32 to vector<16xi32>
    %add3A_112 = arith.addi %shift_right_arithmetic3A_109, %add3A_111 : vector<16xi32>
    %bitcast3A_113 = vector.bitcast %add3A_112 : vector<16xi32> to vector<16xf32>
    %div3A = arith.divf %scan3A_106#0, %bitcast3A_113 : vector<16xf32>
    %add3A_114 = arith.addf %bitcast3A_113, %div3A : vector<16xf32>
    %mul3A_115 = arith.constant 5.000000e-01 : f32
    %mul3A_116 = vector.broadcast %mul3A_115 : f32 to vector<16xf32>
    %mul3A_117 = arith.mulf %mul3A_116, %add3A_114 : vector<16xf32>
    %div3A_118 = arith.divf %scan3A_106#0, %mul3A_117 : vector<16xf32>
    %add3A_119 = arith.addf %mul3A_117, %div3A_118 : vector<16xf32>
    %mul3A_120 = arith.constant 5.000000e-01 : f32
    %mul3A_121 = vector.broadcast %mul3A_120 : f32 to vector<16xf32>
    %mul3A_122 = arith.mulf %mul3A_121, %add3A_119 : vector<16xf32>
    %gt3A = arith.constant 0.000000e+00 : f32
    %gt3A_123 = vector.broadcast %gt3A : f32 to vector<16xf32>
    %gt3A_124 = arith.cmpf ogt, %scan3A_106#0, %gt3A_123 : vector<16xf32>
    %jit3A = arith.constant 0.000000e+00 : f32
    %broadcast_in_dim3A_125 = vector.broadcast %jit3A : f32 to vector<16xf32>
    %select_n3A = arith.select %gt3A_124, %mul3A_122, %broadcast_in_dim3A_125 : vector<16xi1>, vector<16xf32>
    %bitcast3A_126 = vector.bitcast %scan3A_106#1 : vector<16xf32> to vector<16xi32>
    %shift_right_arithmetic3A_127 = arith.constant 1 : i32
    %shift_right_arithmetic3A_128 = vector.broadcast %shift_right_arithmetic3A_127 : i32 to vector<16xi32>
    %shift_right_arithmetic3A_129 = arith.shrsi %bitcast3A_126, %shift_right_arithmetic3A_128 : vector<16xi32>
    %add3A_130 = arith.constant 532487669 : i32
    %add3A_131 = vector.broadcast %add3A_130 : i32 to vector<16xi32>
    %add3A_132 = arith.addi %shift_right_arithmetic3A_129, %add3A_131 : vector<16xi32>
    %bitcast3A_133 = vector.bitcast %add3A_132 : vector<16xi32> to vector<16xf32>
    %div3A_134 = arith.divf %scan3A_106#1, %bitcast3A_133 : vector<16xf32>
    %add3A_135 = arith.addf %bitcast3A_133, %div3A_134 : vector<16xf32>
    %mul3A_136 = arith.constant 5.000000e-01 : f32
    %mul3A_137 = vector.broadcast %mul3A_136 : f32 to vector<16xf32>
    %mul3A_138 = arith.mulf %mul3A_137, %add3A_135 : vector<16xf32>
    %div3A_139 = arith.divf %scan3A_106#1, %mul3A_138 : vector<16xf32>
    %add3A_140 = arith.addf %mul3A_138, %div3A_139 : vector<16xf32>
    %mul3A_141 = arith.constant 5.000000e-01 : f32
    %mul3A_142 = vector.broadcast %mul3A_141 : f32 to vector<16xf32>
    %mul3A_143 = arith.mulf %mul3A_142, %add3A_140 : vector<16xf32>
    %gt3A_144 = arith.constant 0.000000e+00 : f32
    %gt3A_145 = vector.broadcast %gt3A_144 : f32 to vector<16xf32>
    %gt3A_146 = arith.cmpf ogt, %scan3A_106#1, %gt3A_145 : vector<16xf32>
    %jit3A_147 = arith.constant 0.000000e+00 : f32
    %broadcast_in_dim3A_148 = vector.broadcast %jit3A_147 : f32 to vector<16xf32>
    %select_n3A_149 = arith.select %gt3A_146, %mul3A_143, %broadcast_in_dim3A_148 : vector<16xi1>, vector<16xf32>
    %add3A_150 = arith.addf %select_n3A, %select_n3A_149 : vector<16xf32>
    %bitcast3A_151 = vector.bitcast %scan3A_106#2 : vector<16xf32> to vector<16xi32>
    %shift_right_arithmetic3A_152 = arith.constant 1 : i32
    %shift_right_arithmetic3A_153 = vector.broadcast %shift_right_arithmetic3A_152 : i32 to vector<16xi32>
    %shift_right_arithmetic3A_154 = arith.shrsi %bitcast3A_151, %shift_right_arithmetic3A_153 : vector<16xi32>
    %add3A_155 = arith.constant 532487669 : i32
    %add3A_156 = vector.broadcast %add3A_155 : i32 to vector<16xi32>
    %add3A_157 = arith.addi %shift_right_arithmetic3A_154, %add3A_156 : vector<16xi32>
    %bitcast3A_158 = vector.bitcast %add3A_157 : vector<16xi32> to vector<16xf32>
    %div3A_159 = arith.divf %scan3A_106#2, %bitcast3A_158 : vector<16xf32>
    %add3A_160 = arith.addf %bitcast3A_158, %div3A_159 : vector<16xf32>
    %mul3A_161 = arith.constant 5.000000e-01 : f32
    %mul3A_162 = vector.broadcast %mul3A_161 : f32 to vector<16xf32>
    %mul3A_163 = arith.mulf %mul3A_162, %add3A_160 : vector<16xf32>
    %div3A_164 = arith.divf %scan3A_106#2, %mul3A_163 : vector<16xf32>
    %add3A_165 = arith.addf %mul3A_163, %div3A_164 : vector<16xf32>
    %mul3A_166 = arith.constant 5.000000e-01 : f32
    %mul3A_167 = vector.broadcast %mul3A_166 : f32 to vector<16xf32>
    %mul3A_168 = arith.mulf %mul3A_167, %add3A_165 : vector<16xf32>
    %gt3A_169 = arith.constant 0.000000e+00 : f32
    %gt3A_170 = vector.broadcast %gt3A_169 : f32 to vector<16xf32>
    %gt3A_171 = arith.cmpf ogt, %scan3A_106#2, %gt3A_170 : vector<16xf32>
    %jit3A_172 = arith.constant 0.000000e+00 : f32
    %broadcast_in_dim3A_173 = vector.broadcast %jit3A_172 : f32 to vector<16xf32>
    %select_n3A_174 = arith.select %gt3A_171, %mul3A_168, %broadcast_in_dim3A_173 : vector<16xi1>, vector<16xf32>
    %add3A_175 = arith.addf %add3A_150, %select_n3A_174 : vector<16xf32>
    %bitcast3A_176 = vector.bitcast %scan3A_106#3 : vector<16xf32> to vector<16xi32>
    %shift_right_arithmetic3A_177 = arith.constant 1 : i32
    %shift_right_arithmetic3A_178 = vector.broadcast %shift_right_arithmetic3A_177 : i32 to vector<16xi32>
    %shift_right_arithmetic3A_179 = arith.shrsi %bitcast3A_176, %shift_right_arithmetic3A_178 : vector<16xi32>
    %add3A_180 = arith.constant 532487669 : i32
    %add3A_181 = vector.broadcast %add3A_180 : i32 to vector<16xi32>
    %add3A_182 = arith.addi %shift_right_arithmetic3A_179, %add3A_181 : vector<16xi32>
    %bitcast3A_183 = vector.bitcast %add3A_182 : vector<16xi32> to vector<16xf32>
    %div3A_184 = arith.divf %scan3A_106#3, %bitcast3A_183 : vector<16xf32>
    %add3A_185 = arith.addf %bitcast3A_183, %div3A_184 : vector<16xf32>
    %mul3A_186 = arith.constant 5.000000e-01 : f32
    %mul3A_187 = vector.broadcast %mul3A_186 : f32 to vector<16xf32>
    %mul3A_188 = arith.mulf %mul3A_187, %add3A_185 : vector<16xf32>
    %div3A_189 = arith.divf %scan3A_106#3, %mul3A_188 : vector<16xf32>
    %add3A_190 = arith.addf %mul3A_188, %div3A_189 : vector<16xf32>
    %mul3A_191 = arith.constant 5.000000e-01 : f32
    %mul3A_192 = vector.broadcast %mul3A_191 : f32 to vector<16xf32>
    %mul3A_193 = arith.mulf %mul3A_192, %add3A_190 : vector<16xf32>
    %gt3A_194 = arith.constant 0.000000e+00 : f32
    %gt3A_195 = vector.broadcast %gt3A_194 : f32 to vector<16xf32>
    %gt3A_196 = arith.cmpf ogt, %scan3A_106#3, %gt3A_195 : vector<16xf32>
    %jit3A_197 = arith.constant 0.000000e+00 : f32
    %broadcast_in_dim3A_198 = vector.broadcast %jit3A_197 : f32 to vector<16xf32>
    %select_n3A_199 = arith.select %gt3A_196, %mul3A_193, %broadcast_in_dim3A_198 : vector<16xi1>, vector<16xf32>
    %add3A_200 = arith.addf %add3A_175, %select_n3A_199 : vector<16xf32>
    %bitcast3A_201 = vector.bitcast %scan3A_106#4 : vector<16xf32> to vector<16xi32>
    %shift_right_arithmetic3A_202 = arith.constant 1 : i32
    %shift_right_arithmetic3A_203 = vector.broadcast %shift_right_arithmetic3A_202 : i32 to vector<16xi32>
    %shift_right_arithmetic3A_204 = arith.shrsi %bitcast3A_201, %shift_right_arithmetic3A_203 : vector<16xi32>
    %add3A_205 = arith.constant 532487669 : i32
    %add3A_206 = vector.broadcast %add3A_205 : i32 to vector<16xi32>
    %add3A_207 = arith.addi %shift_right_arithmetic3A_204, %add3A_206 : vector<16xi32>
    %bitcast3A_208 = vector.bitcast %add3A_207 : vector<16xi32> to vector<16xf32>
    %div3A_209 = arith.divf %scan3A_106#4, %bitcast3A_208 : vector<16xf32>
    %add3A_210 = arith.addf %bitcast3A_208, %div3A_209 : vector<16xf32>
    %mul3A_211 = arith.constant 5.000000e-01 : f32
    %mul3A_212 = vector.broadcast %mul3A_211 : f32 to vector<16xf32>
    %mul3A_213 = arith.mulf %mul3A_212, %add3A_210 : vector<16xf32>
    %div3A_214 = arith.divf %scan3A_106#4, %mul3A_213 : vector<16xf32>
    %add3A_215 = arith.addf %mul3A_213, %div3A_214 : vector<16xf32>
    %mul3A_216 = arith.constant 5.000000e-01 : f32
    %mul3A_217 = vector.broadcast %mul3A_216 : f32 to vector<16xf32>
    %mul3A_218 = arith.mulf %mul3A_217, %add3A_215 : vector<16xf32>
    %gt3A_219 = arith.constant 0.000000e+00 : f32
    %gt3A_220 = vector.broadcast %gt3A_219 : f32 to vector<16xf32>
    %gt3A_221 = arith.cmpf ogt, %scan3A_106#4, %gt3A_220 : vector<16xf32>
    %jit3A_222 = arith.constant 0.000000e+00 : f32
    %broadcast_in_dim3A_223 = vector.broadcast %jit3A_222 : f32 to vector<16xf32>
    %select_n3A_224 = arith.select %gt3A_221, %mul3A_218, %broadcast_in_dim3A_223 : vector<16xi1>, vector<16xf32>
    %add3A_225 = arith.addf %add3A_200, %select_n3A_224 : vector<16xf32>
    %bitcast3A_226 = vector.bitcast %scan3A_106#5 : vector<16xf32> to vector<16xi32>
    %shift_right_arithmetic3A_227 = arith.constant 1 : i32
    %shift_right_arithmetic3A_228 = vector.broadcast %shift_right_arithmetic3A_227 : i32 to vector<16xi32>
    %shift_right_arithmetic3A_229 = arith.shrsi %bitcast3A_226, %shift_right_arithmetic3A_228 : vector<16xi32>
    %add3A_230 = arith.constant 532487669 : i32
    %add3A_231 = vector.broadcast %add3A_230 : i32 to vector<16xi32>
    %add3A_232 = arith.addi %shift_right_arithmetic3A_229, %add3A_231 : vector<16xi32>
    %bitcast3A_233 = vector.bitcast %add3A_232 : vector<16xi32> to vector<16xf32>
    %div3A_234 = arith.divf %scan3A_106#5, %bitcast3A_233 : vector<16xf32>
    %add3A_235 = arith.addf %bitcast3A_233, %div3A_234 : vector<16xf32>
    %mul3A_236 = arith.constant 5.000000e-01 : f32
    %mul3A_237 = vector.broadcast %mul3A_236 : f32 to vector<16xf32>
    %mul3A_238 = arith.mulf %mul3A_237, %add3A_235 : vector<16xf32>
    %div3A_239 = arith.divf %scan3A_106#5, %mul3A_238 : vector<16xf32>
    %add3A_240 = arith.addf %mul3A_238, %div3A_239 : vector<16xf32>
    %mul3A_241 = arith.constant 5.000000e-01 : f32
    %mul3A_242 = vector.broadcast %mul3A_241 : f32 to vector<16xf32>
    %mul3A_243 = arith.mulf %mul3A_242, %add3A_240 : vector<16xf32>
    %gt3A_244 = arith.constant 0.000000e+00 : f32
    %gt3A_245 = vector.broadcast %gt3A_244 : f32 to vector<16xf32>
    %gt3A_246 = arith.cmpf ogt, %scan3A_106#5, %gt3A_245 : vector<16xf32>
    %jit3A_247 = arith.constant 0.000000e+00 : f32
    %broadcast_in_dim3A_248 = vector.broadcast %jit3A_247 : f32 to vector<16xf32>
    %select_n3A_249 = arith.select %gt3A_246, %mul3A_243, %broadcast_in_dim3A_248 : vector<16xi1>, vector<16xf32>
    %add3A_250 = arith.addf %add3A_225, %select_n3A_249 : vector<16xf32>
    %bitcast3A_251 = vector.bitcast %scan3A_106#6 : vector<16xf32> to vector<16xi32>
    %shift_right_arithmetic3A_252 = arith.constant 1 : i32
    %shift_right_arithmetic3A_253 = vector.broadcast %shift_right_arithmetic3A_252 : i32 to vector<16xi32>
    %shift_right_arithmetic3A_254 = arith.shrsi %bitcast3A_251, %shift_right_arithmetic3A_253 : vector<16xi32>
    %add3A_255 = arith.constant 532487669 : i32
    %add3A_256 = vector.broadcast %add3A_255 : i32 to vector<16xi32>
    %add3A_257 = arith.addi %shift_right_arithmetic3A_254, %add3A_256 : vector<16xi32>
    %bitcast3A_258 = vector.bitcast %add3A_257 : vector<16xi32> to vector<16xf32>
    %div3A_259 = arith.divf %scan3A_106#6, %bitcast3A_258 : vector<16xf32>
    %add3A_260 = arith.addf %bitcast3A_258, %div3A_259 : vector<16xf32>
    %mul3A_261 = arith.constant 5.000000e-01 : f32
    %mul3A_262 = vector.broadcast %mul3A_261 : f32 to vector<16xf32>
    %mul3A_263 = arith.mulf %mul3A_262, %add3A_260 : vector<16xf32>
    %div3A_264 = arith.divf %scan3A_106#6, %mul3A_263 : vector<16xf32>
    %add3A_265 = arith.addf %mul3A_263, %div3A_264 : vector<16xf32>
    %mul3A_266 = arith.constant 5.000000e-01 : f32
    %mul3A_267 = vector.broadcast %mul3A_266 : f32 to vector<16xf32>
    %mul3A_268 = arith.mulf %mul3A_267, %add3A_265 : vector<16xf32>
    %gt3A_269 = arith.constant 0.000000e+00 : f32
    %gt3A_270 = vector.broadcast %gt3A_269 : f32 to vector<16xf32>
    %gt3A_271 = arith.cmpf ogt, %scan3A_106#6, %gt3A_270 : vector<16xf32>
    %jit3A_272 = arith.constant 0.000000e+00 : f32
    %broadcast_in_dim3A_273 = vector.broadcast %jit3A_272 : f32 to vector<16xf32>
    %select_n3A_274 = arith.select %gt3A_271, %mul3A_268, %broadcast_in_dim3A_273 : vector<16xi1>, vector<16xf32>
    %add3A_275 = arith.addf %add3A_250, %select_n3A_274 : vector<16xf32>
    %bitcast3A_276 = vector.bitcast %scan3A_106#7 : vector<16xf32> to vector<16xi32>
    %shift_right_arithmetic3A_277 = arith.constant 1 : i32
    %shift_right_arithmetic3A_278 = vector.broadcast %shift_right_arithmetic3A_277 : i32 to vector<16xi32>
    %shift_right_arithmetic3A_279 = arith.shrsi %bitcast3A_276, %shift_right_arithmetic3A_278 : vector<16xi32>
    %add3A_280 = arith.constant 532487669 : i32
    %add3A_281 = vector.broadcast %add3A_280 : i32 to vector<16xi32>
    %add3A_282 = arith.addi %shift_right_arithmetic3A_279, %add3A_281 : vector<16xi32>
    %bitcast3A_283 = vector.bitcast %add3A_282 : vector<16xi32> to vector<16xf32>
    %div3A_284 = arith.divf %scan3A_106#7, %bitcast3A_283 : vector<16xf32>
    %add3A_285 = arith.addf %bitcast3A_283, %div3A_284 : vector<16xf32>
    %mul3A_286 = arith.constant 5.000000e-01 : f32
    %mul3A_287 = vector.broadcast %mul3A_286 : f32 to vector<16xf32>
    %mul3A_288 = arith.mulf %mul3A_287, %add3A_285 : vector<16xf32>
    %div3A_289 = arith.divf %scan3A_106#7, %mul3A_288 : vector<16xf32>
    %add3A_290 = arith.addf %mul3A_288, %div3A_289 : vector<16xf32>
    %mul3A_291 = arith.constant 5.000000e-01 : f32
    %mul3A_292 = vector.broadcast %mul3A_291 : f32 to vector<16xf32>
    %mul3A_293 = arith.mulf %mul3A_292, %add3A_290 : vector<16xf32>
    %gt3A_294 = arith.constant 0.000000e+00 : f32
    %gt3A_295 = vector.broadcast %gt3A_294 : f32 to vector<16xf32>
    %gt3A_296 = arith.cmpf ogt, %scan3A_106#7, %gt3A_295 : vector<16xf32>
    %jit3A_297 = arith.constant 0.000000e+00 : f32
    %broadcast_in_dim3A_298 = vector.broadcast %jit3A_297 : f32 to vector<16xf32>
    %select_n3A_299 = arith.select %gt3A_296, %mul3A_293, %broadcast_in_dim3A_298 : vector<16xi1>, vector<16xf32>
    %add3A_300 = arith.addf %add3A_275, %select_n3A_299 : vector<16xf32>
    %bitcast3A_301 = vector.bitcast %scan3A_106#8 : vector<16xf32> to vector<16xi32>
    %shift_right_arithmetic3A_302 = arith.constant 1 : i32
    %shift_right_arithmetic3A_303 = vector.broadcast %shift_right_arithmetic3A_302 : i32 to vector<16xi32>
    %shift_right_arithmetic3A_304 = arith.shrsi %bitcast3A_301, %shift_right_arithmetic3A_303 : vector<16xi32>
    %add3A_305 = arith.constant 532487669 : i32
    %add3A_306 = vector.broadcast %add3A_305 : i32 to vector<16xi32>
    %add3A_307 = arith.addi %shift_right_arithmetic3A_304, %add3A_306 : vector<16xi32>
    %bitcast3A_308 = vector.bitcast %add3A_307 : vector<16xi32> to vector<16xf32>
    %div3A_309 = arith.divf %scan3A_106#8, %bitcast3A_308 : vector<16xf32>
    %add3A_310 = arith.addf %bitcast3A_308, %div3A_309 : vector<16xf32>
    %mul3A_311 = arith.constant 5.000000e-01 : f32
    %mul3A_312 = vector.broadcast %mul3A_311 : f32 to vector<16xf32>
    %mul3A_313 = arith.mulf %mul3A_312, %add3A_310 : vector<16xf32>
    %div3A_314 = arith.divf %scan3A_106#8, %mul3A_313 : vector<16xf32>
    %add3A_315 = arith.addf %mul3A_313, %div3A_314 : vector<16xf32>
    %mul3A_316 = arith.constant 5.000000e-01 : f32
    %mul3A_317 = vector.broadcast %mul3A_316 : f32 to vector<16xf32>
    %mul3A_318 = arith.mulf %mul3A_317, %add3A_315 : vector<16xf32>
    %gt3A_319 = arith.constant 0.000000e+00 : f32
    %gt3A_320 = vector.broadcast %gt3A_319 : f32 to vector<16xf32>
    %gt3A_321 = arith.cmpf ogt, %scan3A_106#8, %gt3A_320 : vector<16xf32>
    %jit3A_322 = arith.constant 0.000000e+00 : f32
    %broadcast_in_dim3A_323 = vector.broadcast %jit3A_322 : f32 to vector<16xf32>
    %select_n3A_324 = arith.select %gt3A_321, %mul3A_318, %broadcast_in_dim3A_323 : vector<16xi1>, vector<16xf32>
    %add3A_325 = arith.addf %add3A_300, %select_n3A_324 : vector<16xf32>
    %bitcast3A_326 = vector.bitcast %scan3A_106#9 : vector<16xf32> to vector<16xi32>
    %shift_right_arithmetic3A_327 = arith.constant 1 : i32
    %shift_right_arithmetic3A_328 = vector.broadcast %shift_right_arithmetic3A_327 : i32 to vector<16xi32>
    %shift_right_arithmetic3A_329 = arith.shrsi %bitcast3A_326, %shift_right_arithmetic3A_328 : vector<16xi32>
    %add3A_330 = arith.constant 532487669 : i32
    %add3A_331 = vector.broadcast %add3A_330 : i32 to vector<16xi32>
    %add3A_332 = arith.addi %shift_right_arithmetic3A_329, %add3A_331 : vector<16xi32>
    %bitcast3A_333 = vector.bitcast %add3A_332 : vector<16xi32> to vector<16xf32>
    %div3A_334 = arith.divf %scan3A_106#9, %bitcast3A_333 : vector<16xf32>
    %add3A_335 = arith.addf %bitcast3A_333, %div3A_334 : vector<16xf32>
    %mul3A_336 = arith.constant 5.000000e-01 : f32
    %mul3A_337 = vector.broadcast %mul3A_336 : f32 to vector<16xf32>
    %mul3A_338 = arith.mulf %mul3A_337, %add3A_335 : vector<16xf32>
    %div3A_339 = arith.divf %scan3A_106#9, %mul3A_338 : vector<16xf32>
    %add3A_340 = arith.addf %mul3A_338, %div3A_339 : vector<16xf32>
    %mul3A_341 = arith.constant 5.000000e-01 : f32
    %mul3A_342 = vector.broadcast %mul3A_341 : f32 to vector<16xf32>
    %mul3A_343 = arith.mulf %mul3A_342, %add3A_340 : vector<16xf32>
    %gt3A_344 = arith.constant 0.000000e+00 : f32
    %gt3A_345 = vector.broadcast %gt3A_344 : f32 to vector<16xf32>
    %gt3A_346 = arith.cmpf ogt, %scan3A_106#9, %gt3A_345 : vector<16xf32>
    %jit3A_347 = arith.constant 0.000000e+00 : f32
    %broadcast_in_dim3A_348 = vector.broadcast %jit3A_347 : f32 to vector<16xf32>
    %select_n3A_349 = arith.select %gt3A_346, %mul3A_343, %broadcast_in_dim3A_348 : vector<16xi1>, vector<16xf32>
    %add3A_350 = arith.addf %add3A_325, %select_n3A_349 : vector<16xf32>
    %mul3A_351 = arith.constant 1.000000e-01 : f32
    %mul3A_352 = vector.broadcast %mul3A_351 : f32 to vector<16xf32>
    %mul3A_353 = arith.mulf %add3A_350, %mul3A_352 : vector<16xf32>
    %swap3A = arith.constant 0 : index
    %swap3A_354 = tpu.vector_load %arg7[%swap3A] {strides = array<i32>} : memref<32xf32, #tpu.memory_space<vmem>>, vector<16xf32>,
    tpu.vector_store %arg7[%swap3A], %mul3A_353 {strides = array<i32>} : memref<32xf32, #tpu.memory_space<vmem>>, vector<16xf32>,
    %bitcast3A_355 = vector.bitcast %scan3A_106#10 : vector<16xf32> to vector<16xi32>
    %shift_right_arithmetic3A_356 = arith.constant 1 : i32
    %shift_right_arithmetic3A_357 = vector.broadcast %shift_right_arithmetic3A_356 : i32 to vector<16xi32>
    %shift_right_arithmetic3A_358 = arith.shrsi %bitcast3A_355, %shift_right_arithmetic3A_357 : vector<16xi32>
    %add3A_359 = arith.constant 532487669 : i32
    %add3A_360 = vector.broadcast %add3A_359 : i32 to vector<16xi32>
    %add3A_361 = arith.addi %shift_right_arithmetic3A_358, %add3A_360 : vector<16xi32>
    %bitcast3A_362 = vector.bitcast %add3A_361 : vector<16xi32> to vector<16xf32>
    %div3A_363 = arith.divf %scan3A_106#10, %bitcast3A_362 : vector<16xf32>
    %add3A_364 = arith.addf %bitcast3A_362, %div3A_363 : vector<16xf32>
    %mul3A_365 = arith.constant 5.000000e-01 : f32
    %mul3A_366 = vector.broadcast %mul3A_365 : f32 to vector<16xf32>
    %mul3A_367 = arith.mulf %mul3A_366, %add3A_364 : vector<16xf32>
    %div3A_368 = arith.divf %scan3A_106#10, %mul3A_367 : vector<16xf32>
    %add3A_369 = arith.addf %mul3A_367, %div3A_368 : vector<16xf32>
    %mul3A_370 = arith.constant 5.000000e-01 : f32
    %mul3A_371 = vector.broadcast %mul3A_370 : f32 to vector<16xf32>
    %mul3A_372 = arith.mulf %mul3A_371, %add3A_369 : vector<16xf32>
    %gt3A_373 = arith.constant 0.000000e+00 : f32
    %gt3A_374 = vector.broadcast %gt3A_373 : f32 to vector<16xf32>
    %gt3A_375 = arith.cmpf ogt, %scan3A_106#10, %gt3A_374 : vector<16xf32>
    %jit3A_376 = arith.constant 0.000000e+00 : f32
    %broadcast_in_dim3A_377 = vector.broadcast %jit3A_376 : f32 to vector<16xf32>
    %select_n3A_378 = arith.select %gt3A_375, %mul3A_372, %broadcast_in_dim3A_377 : vector<16xi1>, vector<16xf32>
    %bitcast3A_379 = vector.bitcast %scan3A_106#11 : vector<16xf32> to vector<16xi32>
    %shift_right_arithmetic3A_380 = arith.constant 1 : i32
    %shift_right_arithmetic3A_381 = vector.broadcast %shift_right_arithmetic3A_380 : i32 to vector<16xi32>
    %shift_right_arithmetic3A_382 = arith.shrsi %bitcast3A_379, %shift_right_arithmetic3A_381 : vector<16xi32>
    %add3A_383 = arith.constant 532487669 : i32
    %add3A_384 = vector.broadcast %add3A_383 : i32 to vector<16xi32>
    %add3A_385 = arith.addi %shift_right_arithmetic3A_382, %add3A_384 : vector<16xi32>
    %bitcast3A_386 = vector.bitcast %add3A_385 : vector<16xi32> to vector<16xf32>
    %div3A_387 = arith.divf %scan3A_106#11, %bitcast3A_386 : vector<16xf32>
    %add3A_388 = arith.addf %bitcast3A_386, %div3A_387 : vector<16xf32>
    %mul3A_389 = arith.constant 5.000000e-01 : f32
    %mul3A_390 = vector.broadcast %mul3A_389 : f32 to vector<16xf32>
    %mul3A_391 = arith.mulf %mul3A_390, %add3A_388 : vector<16xf32>
    %div3A_392 = arith.divf %scan3A_106#11, %mul3A_391 : vector<16xf32>
    %add3A_393 = arith.addf %mul3A_391, %div3A_392 : vector<16xf32>
    %mul3A_394 = arith.constant 5.000000e-01 : f32
    %mul3A_395 = vector.broadcast %mul3A_394 : f32 to vector<16xf32>
    %mul3A_396 = arith.mulf %mul3A_395, %add3A_393 : vector<16xf32>
    %gt3A_397 = arith.constant 0.000000e+00 : f32
    %gt3A_398 = vector.broadcast %gt3A_397 : f32 to vector<16xf32>
    %gt3A_399 = arith.cmpf ogt, %scan3A_106#11, %gt3A_398 : vector<16xf32>
    %jit3A_400 = arith.constant 0.000000e+00 : f32
    %broadcast_in_dim3A_401 = vector.broadcast %jit3A_400 : f32 to vector<16xf32>
    %select_n3A_402 = arith.select %gt3A_399, %mul3A_396, %broadcast_in_dim3A_401 : vector<16xi1>, vector<16xf32>
    %add3A_403 = arith.addf %select_n3A_378, %select_n3A_402 : vector<16xf32>
    %bitcast3A_404 = vector.bitcast %scan3A_106#12 : vector<16xf32> to vector<16xi32>
    %shift_right_arithmetic3A_405 = arith.constant 1 : i32
    %shift_right_arithmetic3A_406 = vector.broadcast %shift_right_arithmetic3A_405 : i32 to vector<16xi32>
    %shift_right_arithmetic3A_407 = arith.shrsi %bitcast3A_404, %shift_right_arithmetic3A_406 : vector<16xi32>
    %add3A_408 = arith.constant 532487669 : i32
    %add3A_409 = vector.broadcast %add3A_408 : i32 to vector<16xi32>
    %add3A_410 = arith.addi %shift_right_arithmetic3A_407, %add3A_409 : vector<16xi32>
    %bitcast3A_411 = vector.bitcast %add3A_410 : vector<16xi32> to vector<16xf32>
    %div3A_412 = arith.divf %scan3A_106#12, %bitcast3A_411 : vector<16xf32>
    %add3A_413 = arith.addf %bitcast3A_411, %div3A_412 : vector<16xf32>
    %mul3A_414 = arith.constant 5.000000e-01 : f32
    %mul3A_415 = vector.broadcast %mul3A_414 : f32 to vector<16xf32>
    %mul3A_416 = arith.mulf %mul3A_415, %add3A_413 : vector<16xf32>
    %div3A_417 = arith.divf %scan3A_106#12, %mul3A_416 : vector<16xf32>
    %add3A_418 = arith.addf %mul3A_416, %div3A_417 : vector<16xf32>
    %mul3A_419 = arith.constant 5.000000e-01 : f32
    %mul3A_420 = vector.broadcast %mul3A_419 : f32 to vector<16xf32>
    %mul3A_421 = arith.mulf %mul3A_420, %add3A_418 : vector<16xf32>
    %gt3A_422 = arith.constant 0.000000e+00 : f32
    %gt3A_423 = vector.broadcast %gt3A_422 : f32 to vector<16xf32>
    %gt3A_424 = arith.cmpf ogt, %scan3A_106#12, %gt3A_423 : vector<16xf32>
    %jit3A_425 = arith.constant 0.000000e+00 : f32
    %broadcast_in_dim3A_426 = vector.broadcast %jit3A_425 : f32 to vector<16xf32>
    %select_n3A_427 = arith.select %gt3A_424, %mul3A_421, %broadcast_in_dim3A_426 : vector<16xi1>, vector<16xf32>
    %add3A_428 = arith.addf %add3A_403, %select_n3A_427 : vector<16xf32>
    %bitcast3A_429 = vector.bitcast %scan3A_106#13 : vector<16xf32> to vector<16xi32>
    %shift_right_arithmetic3A_430 = arith.constant 1 : i32
    %shift_right_arithmetic3A_431 = vector.broadcast %shift_right_arithmetic3A_430 : i32 to vector<16xi32>
    %shift_right_arithmetic3A_432 = arith.shrsi %bitcast3A_429, %shift_right_arithmetic3A_431 : vector<16xi32>
    %add3A_433 = arith.constant 532487669 : i32
    %add3A_434 = vector.broadcast %add3A_433 : i32 to vector<16xi32>
    %add3A_435 = arith.addi %shift_right_arithmetic3A_432, %add3A_434 : vector<16xi32>
    %bitcast3A_436 = vector.bitcast %add3A_435 : vector<16xi32> to vector<16xf32>
    %div3A_437 = arith.divf %scan3A_106#13, %bitcast3A_436 : vector<16xf32>
    %add3A_438 = arith.addf %bitcast3A_436, %div3A_437 : vector<16xf32>
    %mul3A_439 = arith.constant 5.000000e-01 : f32
    %mul3A_440 = vector.broadcast %mul3A_439 : f32 to vector<16xf32>
    %mul3A_441 = arith.mulf %mul3A_440, %add3A_438 : vector<16xf32>
    %div3A_442 = arith.divf %scan3A_106#13, %mul3A_441 : vector<16xf32>
    %add3A_443 = arith.addf %mul3A_441, %div3A_442 : vector<16xf32>
    %mul3A_444 = arith.constant 5.000000e-01 : f32
    %mul3A_445 = vector.broadcast %mul3A_444 : f32 to vector<16xf32>
    %mul3A_446 = arith.mulf %mul3A_445, %add3A_443 : vector<16xf32>
    %gt3A_447 = arith.constant 0.000000e+00 : f32
    %gt3A_448 = vector.broadcast %gt3A_447 : f32 to vector<16xf32>
    %gt3A_449 = arith.cmpf ogt, %scan3A_106#13, %gt3A_448 : vector<16xf32>
    %jit3A_450 = arith.constant 0.000000e+00 : f32
    %broadcast_in_dim3A_451 = vector.broadcast %jit3A_450 : f32 to vector<16xf32>
    %select_n3A_452 = arith.select %gt3A_449, %mul3A_446, %broadcast_in_dim3A_451 : vector<16xi1>, vector<16xf32>
    %add3A_453 = arith.addf %add3A_428, %select_n3A_452 : vector<16xf32>
    %bitcast3A_454 = vector.bitcast %scan3A_106#14 : vector<16xf32> to vector<16xi32>
    %shift_right_arithmetic3A_455 = arith.constant 1 : i32
    %shift_right_arithmetic3A_456 = vector.broadcast %shift_right_arithmetic3A_455 : i32 to vector<16xi32>
    %shift_right_arithmetic3A_457 = arith.shrsi %bitcast3A_454, %shift_right_arithmetic3A_456 : vector<16xi32>
    %add3A_458 = arith.constant 532487669 : i32
    %add3A_459 = vector.broadcast %add3A_458 : i32 to vector<16xi32>
    %add3A_460 = arith.addi %shift_right_arithmetic3A_457, %add3A_459 : vector<16xi32>
    %bitcast3A_461 = vector.bitcast %add3A_460 : vector<16xi32> to vector<16xf32>
    %div3A_462 = arith.divf %scan3A_106#14, %bitcast3A_461 : vector<16xf32>
    %add3A_463 = arith.addf %bitcast3A_461, %div3A_462 : vector<16xf32>
    %mul3A_464 = arith.constant 5.000000e-01 : f32
    %mul3A_465 = vector.broadcast %mul3A_464 : f32 to vector<16xf32>
    %mul3A_466 = arith.mulf %mul3A_465, %add3A_463 : vector<16xf32>
    %div3A_467 = arith.divf %scan3A_106#14, %mul3A_466 : vector<16xf32>
    %add3A_468 = arith.addf %mul3A_466, %div3A_467 : vector<16xf32>
    %mul3A_469 = arith.constant 5.000000e-01 : f32
    %mul3A_470 = vector.broadcast %mul3A_469 : f32 to vector<16xf32>
    %mul3A_471 = arith.mulf %mul3A_470, %add3A_468 : vector<16xf32>
    %gt3A_472 = arith.constant 0.000000e+00 : f32
    %gt3A_473 = vector.broadcast %gt3A_472 : f32 to vector<16xf32>
    %gt3A_474 = arith.cmpf ogt, %scan3A_106#14, %gt3A_473 : vector<16xf32>
    %jit3A_475 = arith.constant 0.000000e+00 : f32
    %broadcast_in_dim3A_476 = vector.broadcast %jit3A_475 : f32 to vector<16xf32>
    %select_n3A_477 = arith.select %gt3A_474, %mul3A_471, %broadcast_in_dim3A_476 : vector<16xi1>, vector<16xf32>
    %add3A_478 = arith.addf %add3A_453, %select_n3A_477 : vector<16xf32>
    %bitcast3A_479 = vector.bitcast %scan3A_106#15 : vector<16xf32> to vector<16xi32>
    %shift_right_arithmetic3A_480 = arith.constant 1 : i32
    %shift_right_arithmetic3A_481 = vector.broadcast %shift_right_arithmetic3A_480 : i32 to vector<16xi32>
    %shift_right_arithmetic3A_482 = arith.shrsi %bitcast3A_479, %shift_right_arithmetic3A_481 : vector<16xi32>
    %add3A_483 = arith.constant 532487669 : i32
    %add3A_484 = vector.broadcast %add3A_483 : i32 to vector<16xi32>
    %add3A_485 = arith.addi %shift_right_arithmetic3A_482, %add3A_484 : vector<16xi32>
    %bitcast3A_486 = vector.bitcast %add3A_485 : vector<16xi32> to vector<16xf32>
    %div3A_487 = arith.divf %scan3A_106#15, %bitcast3A_486 : vector<16xf32>
    %add3A_488 = arith.addf %bitcast3A_486, %div3A_487 : vector<16xf32>
    %mul3A_489 = arith.constant 5.000000e-01 : f32
    %mul3A_490 = vector.broadcast %mul3A_489 : f32 to vector<16xf32>
    %mul3A_491 = arith.mulf %mul3A_490, %add3A_488 : vector<16xf32>
    %div3A_492 = arith.divf %scan3A_106#15, %mul3A_491 : vector<16xf32>
    %add3A_493 = arith.addf %mul3A_491, %div3A_492 : vector<16xf32>
    %mul3A_494 = arith.constant 5.000000e-01 : f32
    %mul3A_495 = vector.broadcast %mul3A_494 : f32 to vector<16xf32>
    %mul3A_496 = arith.mulf %mul3A_495, %add3A_493 : vector<16xf32>
    %gt3A_497 = arith.constant 0.000000e+00 : f32
    %gt3A_498 = vector.broadcast %gt3A_497 : f32 to vector<16xf32>
    %gt3A_499 = arith.cmpf ogt, %scan3A_106#15, %gt3A_498 : vector<16xf32>
    %jit3A_500 = arith.constant 0.000000e+00 : f32
    %broadcast_in_dim3A_501 = vector.broadcast %jit3A_500 : f32 to vector<16xf32>
    %select_n3A_502 = arith.select %gt3A_499, %mul3A_496, %broadcast_in_dim3A_501 : vector<16xi1>, vector<16xf32>
    %add3A_503 = arith.addf %add3A_478, %select_n3A_502 : vector<16xf32>
    %bitcast3A_504 = vector.bitcast %scan3A_106#16 : vector<16xf32> to vector<16xi32>
    %shift_right_arithmetic3A_505 = arith.constant 1 : i32
    %shift_right_arithmetic3A_506 = vector.broadcast %shift_right_arithmetic3A_505 : i32 to vector<16xi32>
    %shift_right_arithmetic3A_507 = arith.shrsi %bitcast3A_504, %shift_right_arithmetic3A_506 : vector<16xi32>
    %add3A_508 = arith.constant 532487669 : i32
    %add3A_509 = vector.broadcast %add3A_508 : i32 to vector<16xi32>
    %add3A_510 = arith.addi %shift_right_arithmetic3A_507, %add3A_509 : vector<16xi32>
    %bitcast3A_511 = vector.bitcast %add3A_510 : vector<16xi32> to vector<16xf32>
    %div3A_512 = arith.divf %scan3A_106#16, %bitcast3A_511 : vector<16xf32>
    %add3A_513 = arith.addf %bitcast3A_511, %div3A_512 : vector<16xf32>
    %mul3A_514 = arith.constant 5.000000e-01 : f32
    %mul3A_515 = vector.broadcast %mul3A_514 : f32 to vector<16xf32>
    %mul3A_516 = arith.mulf %mul3A_515, %add3A_513 : vector<16xf32>
    %div3A_517 = arith.divf %scan3A_106#16, %mul3A_516 : vector<16xf32>
    %add3A_518 = arith.addf %mul3A_516, %div3A_517 : vector<16xf32>
    %mul3A_519 = arith.constant 5.000000e-01 : f32
    %mul3A_520 = vector.broadcast %mul3A_519 : f32 to vector<16xf32>
    %mul3A_521 = arith.mulf %mul3A_520, %add3A_518 : vector<16xf32>
    %gt3A_522 = arith.constant 0.000000e+00 : f32
    %gt3A_523 = vector.broadcast %gt3A_522 : f32 to vector<16xf32>
    %gt3A_524 = arith.cmpf ogt, %scan3A_106#16, %gt3A_523 : vector<16xf32>
    %jit3A_525 = arith.constant 0.000000e+00 : f32
    %broadcast_in_dim3A_526 = vector.broadcast %jit3A_525 : f32 to vector<16xf32>
    %select_n3A_527 = arith.select %gt3A_524, %mul3A_521, %broadcast_in_dim3A_526 : vector<16xi1>, vector<16xf32>
    %add3A_528 = arith.addf %add3A_503, %select_n3A_527 : vector<16xf32>
    %bitcast3A_529 = vector.bitcast %scan3A_106#17 : vector<16xf32> to vector<16xi32>
    %shift_right_arithmetic3A_530 = arith.constant 1 : i32
    %shift_right_arithmetic3A_531 = vector.broadcast %shift_right_arithmetic3A_530 : i32 to vector<16xi32>
    %shift_right_arithmetic3A_532 = arith.shrsi %bitcast3A_529, %shift_right_arithmetic3A_531 : vector<16xi32>
    %add3A_533 = arith.constant 532487669 : i32
    %add3A_534 = vector.broadcast %add3A_533 : i32 to vector<16xi32>
    %add3A_535 = arith.addi %shift_right_arithmetic3A_532, %add3A_534 : vector<16xi32>
    %bitcast3A_536 = vector.bitcast %add3A_535 : vector<16xi32> to vector<16xf32>
    %div3A_537 = arith.divf %scan3A_106#17, %bitcast3A_536 : vector<16xf32>
    %add3A_538 = arith.addf %bitcast3A_536, %div3A_537 : vector<16xf32>
    %mul3A_539 = arith.constant 5.000000e-01 : f32
    %mul3A_540 = vector.broadcast %mul3A_539 : f32 to vector<16xf32>
    %mul3A_541 = arith.mulf %mul3A_540, %add3A_538 : vector<16xf32>
    %div3A_542 = arith.divf %scan3A_106#17, %mul3A_541 : vector<16xf32>
    %add3A_543 = arith.addf %mul3A_541, %div3A_542 : vector<16xf32>
    %mul3A_544 = arith.constant 5.000000e-01 : f32
    %mul3A_545 = vector.broadcast %mul3A_544 : f32 to vector<16xf32>
    %mul3A_546 = arith.mulf %mul3A_545, %add3A_543 : vector<16xf32>
    %gt3A_547 = arith.constant 0.000000e+00 : f32
    %gt3A_548 = vector.broadcast %gt3A_547 : f32 to vector<16xf32>
    %gt3A_549 = arith.cmpf ogt, %scan3A_106#17, %gt3A_548 : vector<16xf32>
    %jit3A_550 = arith.constant 0.000000e+00 : f32
    %broadcast_in_dim3A_551 = vector.broadcast %jit3A_550 : f32 to vector<16xf32>
    %select_n3A_552 = arith.select %gt3A_549, %mul3A_546, %broadcast_in_dim3A_551 : vector<16xi1>, vector<16xf32>
    %add3A_553 = arith.addf %add3A_528, %select_n3A_552 : vector<16xf32>
    %bitcast3A_554 = vector.bitcast %scan3A_106#18 : vector<16xf32> to vector<16xi32>
    %shift_right_arithmetic3A_555 = arith.constant 1 : i32
    %shift_right_arithmetic3A_556 = vector.broadcast %shift_right_arithmetic3A_555 : i32 to vector<16xi32>
    %shift_right_arithmetic3A_557 = arith.shrsi %bitcast3A_554, %shift_right_arithmetic3A_556 : vector<16xi32>
    %add3A_558 = arith.constant 532487669 : i32
    %add3A_559 = vector.broadcast %add3A_558 : i32 to vector<16xi32>
    %add3A_560 = arith.addi %shift_right_arithmetic3A_557, %add3A_559 : vector<16xi32>
    %bitcast3A_561 = vector.bitcast %add3A_560 : vector<16xi32> to vector<16xf32>
    %div3A_562 = arith.divf %scan3A_106#18, %bitcast3A_561 : vector<16xf32>
    %add3A_563 = arith.addf %bitcast3A_561, %div3A_562 : vector<16xf32>
    %mul3A_564 = arith.constant 5.000000e-01 : f32
    %mul3A_565 = vector.broadcast %mul3A_564 : f32 to vector<16xf32>
    %mul3A_566 = arith.mulf %mul3A_565, %add3A_563 : vector<16xf32>
    %div3A_567 = arith.divf %scan3A_106#18, %mul3A_566 : vector<16xf32>
    %add3A_568 = arith.addf %mul3A_566, %div3A_567 : vector<16xf32>
    %mul3A_569 = arith.constant 5.000000e-01 : f32
    %mul3A_570 = vector.broadcast %mul3A_569 : f32 to vector<16xf32>
    %mul3A_571 = arith.mulf %mul3A_570, %add3A_568 : vector<16xf32>
    %gt3A_572 = arith.constant 0.000000e+00 : f32
    %gt3A_573 = vector.broadcast %gt3A_572 : f32 to vector<16xf32>
    %gt3A_574 = arith.cmpf ogt, %scan3A_106#18, %gt3A_573 : vector<16xf32>
    %jit3A_575 = arith.constant 0.000000e+00 : f32
    %broadcast_in_dim3A_576 = vector.broadcast %jit3A_575 : f32 to vector<16xf32>
    %select_n3A_577 = arith.select %gt3A_574, %mul3A_571, %broadcast_in_dim3A_576 : vector<16xi1>, vector<16xf32>
    %add3A_578 = arith.addf %add3A_553, %select_n3A_577 : vector<16xf32>
    %bitcast3A_579 = vector.bitcast %scan3A_106#19 : vector<16xf32> to vector<16xi32>
    %shift_right_arithmetic3A_580 = arith.constant 1 : i32
    %shift_right_arithmetic3A_581 = vector.broadcast %shift_right_arithmetic3A_580 : i32 to vector<16xi32>
    %shift_right_arithmetic3A_582 = arith.shrsi %bitcast3A_579, %shift_right_arithmetic3A_581 : vector<16xi32>
    %add3A_583 = arith.constant 532487669 : i32
    %add3A_584 = vector.broadcast %add3A_583 : i32 to vector<16xi32>
    %add3A_585 = arith.addi %shift_right_arithmetic3A_582, %add3A_584 : vector<16xi32>
    %bitcast3A_586 = vector.bitcast %add3A_585 : vector<16xi32> to vector<16xf32>
    %div3A_587 = arith.divf %scan3A_106#19, %bitcast3A_586 : vector<16xf32>
    %add3A_588 = arith.addf %bitcast3A_586, %div3A_587 : vector<16xf32>
    %mul3A_589 = arith.constant 5.000000e-01 : f32
    %mul3A_590 = vector.broadcast %mul3A_589 : f32 to vector<16xf32>
    %mul3A_591 = arith.mulf %mul3A_590, %add3A_588 : vector<16xf32>
    %div3A_592 = arith.divf %scan3A_106#19, %mul3A_591 : vector<16xf32>
    %add3A_593 = arith.addf %mul3A_591, %div3A_592 : vector<16xf32>
    %mul3A_594 = arith.constant 5.000000e-01 : f32
    %mul3A_595 = vector.broadcast %mul3A_594 : f32 to vector<16xf32>
    %mul3A_596 = arith.mulf %mul3A_595, %add3A_593 : vector<16xf32>
    %gt3A_597 = arith.constant 0.000000e+00 : f32
    %gt3A_598 = vector.broadcast %gt3A_597 : f32 to vector<16xf32>
    %gt3A_599 = arith.cmpf ogt, %scan3A_106#19, %gt3A_598 : vector<16xf32>
    %jit3A_600 = arith.constant 0.000000e+00 : f32
    %broadcast_in_dim3A_601 = vector.broadcast %jit3A_600 : f32 to vector<16xf32>
    %select_n3A_602 = arith.select %gt3A_599, %mul3A_596, %broadcast_in_dim3A_601 : vector<16xi1>, vector<16xf32>
    %add3A_603 = arith.addf %add3A_578, %select_n3A_602 : vector<16xf32>
    %mul3A_604 = arith.constant 1.000000e-01 : f32
    %mul3A_605 = vector.broadcast %mul3A_604 : f32 to vector<16xf32>
    %mul3A_606 = arith.mulf %add3A_603, %mul3A_605 : vector<16xf32>
    %swap3A_607 = arith.constant 16 : index
    %swap3A_608 = tpu.vector_load %arg7[%swap3A_607] {strides = array<i32>} : memref<32xf32, #tpu.memory_space<vmem>>, vector<16xf32>,
    tpu.vector_store %arg7[%swap3A_607], %mul3A_606 {strides = array<i32>} : memref<32xf32, #tpu.memory_space<vmem>>, vector<16xf32>,
    "tpu.region"() ({
      %run_scoped3A = tpu.sem_alloc : memref<!tpu.dma_semaphore, #tpu.memory_space<semaphore_mem>>
      %dma_start3A_609 = tpu.memref_slice %arg4[%mul3A_2] : memref<1024xf32, #tpu.memory_space<hbm>> -> memref<32xf32, #tpu.memory_space<hbm>>
      %dma_start3A_610 = tpu.memref_slice %arg4[%mul3A_2] : memref<1024xf32, #tpu.memory_space<hbm>> -> memref<32xf32, #tpu.memory_space<hbm>>
      tpu.enqueue_dma source(%arg7 : memref<32xf32, #tpu.memory_space<vmem>>) target(%dma_start3A_610 : memref<32xf32, #tpu.memory_space<hbm>>) target_semaphore(%run_scoped3A : memref<!tpu.dma_semaphore, #tpu.memory_space<semaphore_mem>>)
      %dma_wait3A_611 = tpu.memref_slice %arg4[%mul3A_2] : memref<1024xf32, #tpu.memory_space<hbm>> -> memref<32xf32, #tpu.memory_space<hbm>>
      %dma_wait3A_612 = tpu.memref_slice %arg4[%mul3A_2] : memref<1024xf32, #tpu.memory_space<hbm>> -> memref<32xf32, #tpu.memory_space<hbm>>
      tpu.wait_dma2 semaphore(%run_scoped3A : memref<!tpu.dma_semaphore, #tpu.memory_space<semaphore_mem>>) src(%arg7 : memref<32xf32, #tpu.memory_space<vmem>>) dst(%dma_wait3A_612 : memref<32xf32, #tpu.memory_space<hbm>>)
      tpu.yield
    }) : () -> ()
    return
  }
}

module attributes {stable_mosaic.version = 14 : i64} {
  func.func @_tc_distances(%arg0: memref<1024x256xf32, #tpu.memory_space<vmem>>, %arg1: memref<256x256xf32, #tpu.memory_space<vmem>>, %arg2: memref<1x256xf32, #tpu.memory_space<vmem>>, %arg3: memref<256x256xf32, #tpu.memory_space<vmem>>, %arg4: memref<1x256xf32, #tpu.memory_space<vmem>>, %arg5: memref<1000x256xf32, #tpu.memory_space<vmem>>, %arg6: memref<1024x1001xf32, #tpu.memory_space<vmem>>, %arg7: memref<1024x125xf32, #tpu.memory_space<vmem>>) attributes {dimension_semantics = [], scalar_prefetch = 0 : i64, scratch_operands = 0 : i64, tpu.core_type = #tpu.core_type<tc>} {
    %get3A = arith.constant 0 : index
    %get3A_0 = arith.constant 0 : index
    %get3A_1 = vector.load %arg0[%get3A, %get3A_0] : memref<1024x256xf32, #tpu.memory_space<vmem>>, vector<1024x256xf32>
    %get3A_2 = arith.constant 0 : index
    %get3A_3 = arith.constant 0 : index
    %get3A_4 = vector.load %arg1[%get3A_2, %get3A_3] : memref<256x256xf32, #tpu.memory_space<vmem>>, vector<256x256xf32>
    %get3A_5 = arith.constant 0 : index
    %get3A_6 = arith.constant 0 : index
    %get3A_7 = vector.load %arg3[%get3A_5, %get3A_6] : memref<256x256xf32, #tpu.memory_space<vmem>>, vector<256x256xf32>
    %get3A_8 = arith.constant 0 : index
    %get3A_9 = arith.constant 0 : index
    %get3A_10 = vector.load %arg2[%get3A_8, %get3A_9] : memref<1x256xf32, #tpu.memory_space<vmem>>, vector<1x256xf32>
    %get3A_11 = arith.constant 0 : index
    %get3A_12 = arith.constant 0 : index
    %get3A_13 = vector.load %arg4[%get3A_11, %get3A_12] : memref<1x256xf32, #tpu.memory_space<vmem>>, vector<1x256xf32>
    %get3A_14 = arith.constant 0 : index
    %get3A_15 = arith.constant 0 : index
    %get3A_16 = vector.load %arg5[%get3A_14, %get3A_15] : memref<1000x256xf32, #tpu.memory_space<vmem>>, vector<1000x256xf32>
    %dot_general3A = arith.constant dense<0.000000e+00> : vector<1024x256xf32>
    %dot_general3A_17 = tpu.matmul %get3A_1, %get3A_4, %dot_general3A {dimension_numbers = #tpu.dot_dimension_numbers<[1], [1], [0], [0], [0, 0, 1, 0], [], []>, transpose_lhs_hint = false} : vector<1024x256xf32>, vector<256x256xf32>, vector<1024x256xf32> -> vector<1024x256xf32>
    %add3A = vector.broadcast %get3A_10 : vector<1x256xf32> to vector<1024x256xf32>
    %add3A_18 = arith.addf %dot_general3A_17, %add3A : vector<1024x256xf32>
    %max3A = arith.constant 0.000000e+00 : f32
    %max3A_19 = vector.broadcast %max3A : f32 to vector<1024x256xf32>
    %max3A_20 = arith.maximumf %add3A_18, %max3A_19 : vector<1024x256xf32>
    %dot_general3A_21 = arith.constant dense<0.000000e+00> : vector<1024x256xf32>
    %dot_general3A_22 = tpu.matmul %max3A_20, %get3A_7, %dot_general3A_21 {dimension_numbers = #tpu.dot_dimension_numbers<[1], [1], [0], [0], [0, 0, 1, 0], [], []>, transpose_lhs_hint = false} : vector<1024x256xf32>, vector<256x256xf32>, vector<1024x256xf32> -> vector<1024x256xf32>
    %add3A_23 = vector.broadcast %get3A_13 : vector<1x256xf32> to vector<1024x256xf32>
    %add3A_24 = arith.addf %dot_general3A_22, %add3A_23 : vector<1024x256xf32>
    %dot_general3A_25 = arith.constant dense<0.000000e+00> : vector<1024x1000xf32>
    %dot_general3A_26 = tpu.matmul %add3A_24, %get3A_16, %dot_general3A_25 {dimension_numbers = #tpu.dot_dimension_numbers<[1], [1], [0], [0], [0, 0, 1, 0], [], []>, transpose_lhs_hint = false} : vector<1024x256xf32>, vector<1000x256xf32>, vector<1024x1000xf32> -> vector<1024x1000xf32>
    %mul3A = arith.mulf %get3A_16, %get3A_16 : vector<1000x256xf32>
    %reduce_sum3A = arith.constant dense<0.000000e+00> : vector<1000xf32>
    %reduce_sum3A_27 = vector.multi_reduction <add>, %mul3A, %reduce_sum3A [1] : vector<1000x256xf32> to vector<1000xf32>
    %broadcast_in_dim3A = vector.shape_cast %reduce_sum3A_27 : vector<1000xf32> to vector<1x1000xf32>
    %mul3A_28 = arith.mulf %add3A_24, %add3A_24 : vector<1024x256xf32>
    %reduce_sum3A_29 = arith.constant dense<0.000000e+00> : vector<1024xf32>
    %reduce_sum3A_30 = vector.multi_reduction <add>, %mul3A_28, %reduce_sum3A_29 [1] : vector<1024x256xf32> to vector<1024xf32>
    %broadcast_in_dim3A_31 = vector.shape_cast %reduce_sum3A_30 : vector<1024xf32> to vector<1024x1xf32>
    %mul3A_32 = arith.constant 2.000000e+00 : f32
    %mul3A_33 = vector.broadcast %mul3A_32 : f32 to vector<1024x1000xf32>
    %mul3A_34 = arith.mulf %mul3A_33, %dot_general3A_26 : vector<1024x1000xf32>
    %sub3A = vector.broadcast %broadcast_in_dim3A_31 : vector<1024x1xf32> to vector<1024x1000xf32>
    %sub3A_35 = arith.subf %sub3A, %mul3A_34 : vector<1024x1000xf32>
    %add3A_36 = vector.broadcast %broadcast_in_dim3A : vector<1x1000xf32> to vector<1024x1000xf32>
    %add3A_37 = arith.addf %sub3A_35, %add3A_36 : vector<1024x1000xf32>
    %max3A_38 = arith.constant 0.000000e+00 : f32
    %max3A_39 = vector.broadcast %max3A_38 : f32 to vector<1024x1000xf32>
    %max3A_40 = arith.maximumf %add3A_37, %max3A_39 : vector<1024x1000xf32>
    %swap3A = arith.constant 0 : index
    %swap3A_41 = arith.constant 0 : index
    %swap3A_42 = vector.load %arg6[%swap3A, %swap3A_41] : memref<1024x1001xf32, #tpu.memory_space<vmem>>, vector<1024x1000xf32>
    tpu.vector_store %arg6[%swap3A, %swap3A_41], %max3A_40 {strides = array<i32>} : memref<1024x1001xf32, #tpu.memory_space<vmem>>, vector<1024x1000xf32>,
    %slice3A = vector.extract_strided_slice %max3A_40 {offsets = [0, 0], sizes = [1024, 125], strides = [1, 1]} : vector<1024x1000xf32> to vector<1024x125xf32>
    %slice3A_43 = vector.extract_strided_slice %max3A_40 {offsets = [0, 125], sizes = [1024, 125], strides = [1, 1]} : vector<1024x1000xf32> to vector<1024x125xf32>
    %min3A = arith.minimumf %slice3A, %slice3A_43 : vector<1024x125xf32>
    %slice3A_44 = vector.extract_strided_slice %max3A_40 {offsets = [0, 250], sizes = [1024, 125], strides = [1, 1]} : vector<1024x1000xf32> to vector<1024x125xf32>
    %min3A_45 = arith.minimumf %min3A, %slice3A_44 : vector<1024x125xf32>
    %slice3A_46 = vector.extract_strided_slice %max3A_40 {offsets = [0, 375], sizes = [1024, 125], strides = [1, 1]} : vector<1024x1000xf32> to vector<1024x125xf32>
    %min3A_47 = arith.minimumf %min3A_45, %slice3A_46 : vector<1024x125xf32>
    %slice3A_48 = vector.extract_strided_slice %max3A_40 {offsets = [0, 500], sizes = [1024, 125], strides = [1, 1]} : vector<1024x1000xf32> to vector<1024x125xf32>
    %min3A_49 = arith.minimumf %min3A_47, %slice3A_48 : vector<1024x125xf32>
    %slice3A_50 = vector.extract_strided_slice %max3A_40 {offsets = [0, 625], sizes = [1024, 125], strides = [1, 1]} : vector<1024x1000xf32> to vector<1024x125xf32>
    %min3A_51 = arith.minimumf %min3A_49, %slice3A_50 : vector<1024x125xf32>
    %slice3A_52 = vector.extract_strided_slice %max3A_40 {offsets = [0, 750], sizes = [1024, 125], strides = [1, 1]} : vector<1024x1000xf32> to vector<1024x125xf32>
    %min3A_53 = arith.minimumf %min3A_51, %slice3A_52 : vector<1024x125xf32>
    %slice3A_54 = vector.extract_strided_slice %max3A_40 {offsets = [0, 875], sizes = [1024, 125], strides = [1, 1]} : vector<1024x1000xf32> to vector<1024x125xf32>
    %min3A_55 = arith.minimumf %min3A_53, %slice3A_54 : vector<1024x125xf32>
    %iota3A = tpu.iota {dimensions = array<i32: 1>} : vector<1024x125xi32>
    %bitcast_convert_type3A = tpu.bitcast %min3A_55 : vector<1024x125xf32> -> vector<1024x125xi32>
    %and3A = arith.constant -128 : i32
    %and3A_56 = vector.broadcast %and3A : i32 to vector<1024x125xi32>
    %and3A_57 = arith.andi %bitcast_convert_type3A, %and3A_56 : vector<1024x125xi32>
    %or3A = arith.ori %and3A_57, %iota3A : vector<1024x125xi32>
    %bitcast_convert_type3A_58 = tpu.bitcast %or3A : vector<1024x125xi32> -> vector<1024x125xf32>
    %swap3A_59 = arith.constant 0 : index
    %swap3A_60 = arith.constant 0 : index
    %swap3A_61 = vector.load %arg7[%swap3A_59, %swap3A_60] : memref<1024x125xf32, #tpu.memory_space<vmem>>, vector<1024x125xf32>
    tpu.vector_store %arg7[%swap3A_59, %swap3A_60], %bitcast_convert_type3A_58 {strides = array<i32>} : memref<1024x125xf32, #tpu.memory_space<vmem>>, vector<1024x125xf32>,
    return
  }
}

</mosaic_0001>

<sc_bundles>
// kernel: kernel.4.cloned.1.call-start
scs
__scs_entry_jumppad:
0x0: {  	(pc) =	sbr.rel $0x88, $3  }
0x1: {  	(tag) =	ssettag $0x0;
	lr =	simm.s32 $0x1  }
0x2: {  	[smem:$0x3F9B] =	sst lr;
	_ =	strace $0xD0000000  }
0x3: {  	_ = 	snop  }
0x4: {  	_ = 	snop  }
0x5: {  	_ = 	snop  }
0x6: {  	_ = 	snop  }
0x7: {  	_ = 	snop  }
__scs_overlays_trampoline_lowered:
0x8: {  	[smem:$0x3FAA] =	sst s0  }
0x9: {  	[smem:$0x3FAB] =	sst s1  }
0xa: {  	[smem:$0x3FAC] =	sst s2  }
0xb: {  	[smem:$0x3FAD] =	sst s3  }
0xc: {  	[smem:$0x3FAE] =	sst s4  }
0xd: {  	[smem:$0x3FAF] =	sst s5  }
0xe: {  	[smem:$0x3FB0] =	sst s6  }
0xf: {  	[smem:$0x3FB1] =	sst s7  }
0x10: {  	[smem:$0x3FB2] =	sst s8  }
0x11: {  	[smem:$0x3FB3] =	sst s9;
	s0 =	simm.s32 @!p0 $0x0  }
0x12: {  	s1 =	sld [smem:$0x3F99];
	s0 =	simm.s32 @p0 $0x1  }
0x13: {  	[smem:$0x3FB4] =	sst s0;
	s0 =	simm.s32 @!p1 $0x0  }
0x14: {  	s2 =	sld [smem:$0x3F98];
	s0 =	simm.s32 @p1 $0x1  }
0x15: {  	[smem:$0x3FB5] =	sst s0;
	s0 =	simm.s32 @!p2 $0x0  }
0x16: {  	s3 =	sld [smem:$0x3FDB];
	s0 =	simm.s32 @p2 $0x1  }
0x17: {  	s4 =	simm.s32 $0x1BF5;
	[smem:$0x3FB7] =	sst s0  }
0x18: {  	s0 =	sld [smem:$0x3F9A];
	_ =	swait.ge [sflag:s4], $0x0  }
0x19: {  	s7 =	sld [smem:$0x3F9B]  }
0x1a: {  	s8 =	sadd.s32 $0xFFFFE003, lr  }
0x1b: {  	s9 =	sadd.s32 $0xFFFFFEF7, lr;
	s5 =	simm.s32 $0xFFFFFFFF;
	p2 =	slt.u32 s8, $0xFFFFF086  }
0x1c: {  	p1 =	slt.u32 s9, $0xF7A;
	s5 =	simm.s32 @!p2 $0x0  }
0x1d: {  	s5 =	simm.s32 @p1 $0x1;
	p0 =	seq.s32 s7, s2  }
0x1e: {  	s7 =	smul.u32 @!p0 $0xF7A, s2;
	p2 =	seq.s32 @!p0 s5, $0x0  }
0x1f: {  	s9 =	smul.u32 $0xF7A, s1;
	s8 =	simm.s32 @!p0 $0x1BF5;
	p2 =	por !p2, p0  }
0x20: {  	[sflag:s8] =	ssyncset.s32 @!p0 $0xFFFFF086;
	s6 =	sadd.s32 @!p0 s3, s7;
	s7 =	simm.s32 @!p0 $0x108  }
0x21: {  	s3 =	sadd.s32 s3, s9;
	s6 =	sadd.s32 @!p0 $0x88, s6;
	s7 =	simm.s32 @p2 $0x1082  }
0x22: {  	[simem:s7], [sflag:s8] =	dma.local @!p0 [hbm:s6], $0xF7A  }
0x23: {  	s9 =	sor.u32 $0xD0000000, s2;
	s6 =	simm.s32 $0x108;
	_ =	swait.ge @!p0 [sflag:s8], $0x0  }
0x24: {  	s3 =	sadd.s32 $0x88, s3;
	s6 =	simm.s32 @!p1 $0x1082;
	[sflag:s4] =	ssyncset.s32 $0xFFFFF086  }
0x25: {  	[simem:s6], [sflag:s4] =	dma.local [hbm:s3], $0xF7A  }
0x26: {  	[smem:$0x3F9B] =	sst s1;
	(tag) =	ssettag s2;
	_ =	strace s9  }
0x27: {  	s1 =	sld [smem:$0x3FAB]  }
0x28: {  	s2 =	sld [smem:$0x3FAC]  }
0x29: {  	s4 =	sld [smem:$0x3FAE]  }
0x2a: {  	p0 =	seq.s32 s5, $0x0;
	s5 =	sld [smem:$0x3FAF]  }
0x2b: {  	s6 =	sld [smem:$0x3FB0]  }
0x2c: {  	s7 =	sld [smem:$0x3FB1]  }
0x2d: {  	s3 =	simm.s32 $0x108;
	s8 =	sld [smem:$0x3FB2]  }
0x2e: {  	s3 =	simm.s32 @!p0 $0x1082;
	s9 =	sld [smem:$0x3FB3]  }
0x2f: {  	lr =	sadd.s32 s0, s3;
	s0 =	sld [smem:$0x3FAA]  }
0x30: {  	s3 =	sld [smem:$0x3FAD]  }
0x31: {  	[smem:$0x3FB6] =	sst s10  }
0x32: {  	s10 =	sld [smem:$0x3FB4];
	_ =	sdelay $0x3  }
0x33: {  	p0 =	seq.s32 s10, $0x1;
	s10 =	sld [smem:$0x3FB6];
	_ =	sdelay $0x3  }
0x34: {  	[smem:$0x3FB6] =	sst s10  }
0x35: {  	s10 =	sld [smem:$0x3FB5];
	_ =	sdelay $0x3  }
0x36: {  	p1 =	seq.s32 s10, $0x1;
	s10 =	sld [smem:$0x3FB6];
	_ =	sdelay $0x3  }
0x37: {  	[smem:$0x3FB6] =	sst s10  }
0x38: {  	s10 =	sld [smem:$0x3FB7]  }
0x39: {  	_ = 	snop;
	(pc) =	sbr.ind lr, $3  }
0x3a: {  	_ = 	snop  }
0x3b: {  	_ = 	snop  }
0x3c: {  	p2 =	seq.s32 s10, $0x1;
	s10 =	sld [smem:$0x3FB6]  }
0x3d: {  	_ =	shalt  }
0x3e: {  	_ =	shalt  }
0x3f: {  	_ =	shalt  }
0x40: {  	_ =	shalt  }
0x41: {  	_ =	shalt  }
0x42: {  	_ =	shalt  }
0x43: {  	_ =	shalt  }
0x44: {  	_ =	shalt  }
0x45: {  	_ =	shalt  }
0x46: {  	_ =	shalt  }
0x47: {  	_ =	shalt  }
0x48: {  	_ =	shalt  }
0x49: {  	_ =	shalt  }
0x4a: {  	_ =	shalt  }
0x4b: {  	_ =	shalt  }
0x4c: {  	_ =	shalt  }
0x4d: {  	_ =	shalt  }
0x4e: {  	_ =	shalt  }
0x4f: {  	_ =	shalt  }
0x50: {  	_ =	shalt  }
0x51: {  	_ =	shalt  }
0x52: {  	_ =	shalt  }
0x53: {  	_ =	shalt  }
0x54: {  	_ =	shalt  }
0x55: {  	_ =	shalt  }
0x56: {  	_ =	shalt  }
0x57: {  	_ =	shalt  }
0x58: {  	_ =	shalt  }
0x59: {  	_ =	shalt  }
0x5a: {  	_ =	shalt  }
0x5b: {  	_ =	shalt  }
0x5c: {  	_ =	shalt  }
0x5d: {  	_ =	shalt  }
0x5e: {  	_ =	shalt  }
0x5f: {  	_ =	shalt  }
0x60: {  	_ =	shalt  }
0x61: {  	_ =	shalt  }
0x62: {  	_ =	shalt  }
0x63: {  	_ =	shalt  }
0x64: {  	_ =	shalt  }
0x65: {  	_ =	shalt  }
0x66: {  	_ =	shalt  }
0x67: {  	_ =	shalt  }
0x68: {  	_ =	shalt  }
0x69: {  	_ =	shalt  }
0x6a: {  	_ =	shalt  }
0x6b: {  	_ =	shalt  }
0x6c: {  	_ =	shalt  }
0x6d: {  	_ =	shalt  }
0x6e: {  	_ =	shalt  }
0x6f: {  	_ =	shalt  }
0x70: {  	_ =	shalt  }
0x71: {  	_ =	shalt  }
0x72: {  	_ =	shalt  }
0x73: {  	_ =	shalt  }
0x74: {  	_ =	shalt  }
0x75: {  	_ =	shalt  }
0x76: {  	_ =	shalt  }
0x77: {  	_ =	shalt  }
0x78: {  	_ =	shalt  }
0x79: {  	_ =	shalt  }
0x7a: {  	_ =	shalt  }
0x7b: {  	_ =	shalt  }
0x7c: {  	_ =	shalt  }
0x7d: {  	_ =	shalt  }
0x7e: {  	_ =	shalt  }
0x7f: {  	_ =	shalt  }
0x80: {  	_ =	shalt  }
0x81: {  	_ =	shalt  }
0x82: {  	_ =	shalt  }
0x83: {  	_ =	shalt  }
0x84: {  	_ =	shalt  }
0x85: {  	_ =	shalt  }
0x86: {  	_ =	shalt  }
0x87: {  	_ =	shalt  }
.Lfunc_end0:
.L_simem_size_0:
called_computation_lowered:
.L_overlay_start_0:
0x88: {  	s2 =	sld [smem:$0x3FD9]  }
0x89: {  	s3 =	sld [smem:$0x3FFE];
	_ =	sdelay $0x1  }
0x8a: {  	s1 =	srdreg.scid  }
0x8b: {  	s0 =	sand.u32 $0x1, s1  }
0x8c: {  	s17 =	sshll.u32 s0, $0xA;
	s2 =	sadd.s32 s3, s2  }
0x8d: {  	s2 =	sadd.s32 s2, s17  }
0x8e: {  	[smem:$0x3FC2] =	sst s2  }
0x8f: {  	_ = 	snop  }
0x90: {  	s2 =	sld [smem:$0x3FD0];
	(tm) =	ssettm $0x1  }
0x91: {  	s18 =	sld [smem:$0x3FFB];
	_ =	sdelay $0x3  }
0x92: {  	_ =	strace s18  }
0x93: {  	s3 =	sld [smem:$0x3FFC];
	_ =	sdelay $0x3  }
0x94: {  	_ =	strace s3  }
0x95: {  	s3 =	sld [smem:$0x3FFD];
	_ =	sdelay $0x3  }
0x96: {  	_ =	strace s3  }
0x97: {  	_ =	strace $0x8FFFFFFF  }
0x98: {  	s19 =	sld [smem:$0x3FDB];
	_ =	sdelay $0x1  }
0x99: {  	s4 =	simm.s32 $_scs_section_size  }
0x9a: {  	s5 =	simm.s32 $_size__tile_overlayer_lowered;
	s6 =	simm.s32 $_tile_overlayer_lowered  }
0x9b: {  	s22 =	simm.s32 $0x1BFF;
	s21 =	sshll.u32 s6, $0x1;
	s3 =	sadd.s32 s4, s19  }
0x9c: {  	s7 =	simm.s32 $0x0;
	s20 =	sshll.u32 s5, $0x1;
	s5 =	sadd.s32 s21, s3  }
0x9d: {  	[timem:s7], [sflag:s22] =	dma.local [hbm:s5], s20  }
0x9e: {  	_ =	swait.ge [sflag:s22], s20  }
0x9f: {  	s4 =	ssub.s32 $0x0, s20;
	[sflag:s22] =	ssyncset.done $0x0  }
0xa0: {  	[sflag:s22] =	ssyncadd.s32 s4;
	_ =	sdelay $0x1  }
0xa1: {  	s23 =	simm.s32 $0x1B8B  }
0xa2: {  	_ =	swait.ge [sflag:s23], $0x1  }
0xa3: {  	[sflag:s23] =	ssyncset.done $0x0  }
0xa4: {  	s25 =	simm.s32 $0x1B8E;
	s24 =	sld [smem:$0x3FFE];
	[sflag:s23] =	ssyncadd.s32 $0xFFFFFFFF  }
0xa5: {  	s26 =	simm.s32 $execute0_lowered;
	[smem:$0x3FD2] =	sst s25  }
0xa6: {  	s5 =	sshll.u32 s26, $0x1;
	_ =	strace $0x80000046;
	[dreg:$0x1] =	wrdreg $0xFFFFFFFF  }
0xa7: {  	s28 =	simm.s32 $_size_execute0_lowered;
	s3 =	sadd.s32 s3, s5;
	[dreg:$0x0] =	wrdreg $0x0  }
0xa8: {  	s5 =	sshll.u32 s28, $0x1;
	[dreg:$0x2] =	wrdreg s3  }
0xa9: {  	[dreg:$0x3] =	wrdreg s5  }
0xaa: {  	[dreg:$0x4] =	wrdreg $0xC0  }
0xab: {  	_ =	task [dreg:s7], $0x5FFFF  }
0xac: {  	[dreg:$0x1] =	wrdreg $0xFFFFFFFF  }
0xad: {  	[dreg:$0x0] =	wrdreg $0x60  }
0xae: {  	[dreg:$0x2] =	wrdreg s24  }
0xaf: {  	[dreg:$0x3] =	wrdreg s2  }
0xb0: {  	[dreg:$0x4] =	wrdreg $0x9  }
0xb1: {  	_ =	task.clear_ibuf [dreg:s7], $0x5FFFF;
	_ =	strace $0x90000046  }
0xb2: {  	s29 =	simm.s32 $0x9;
	_ =	strace $0x80000048  }
0xb3: {  	_ =	swait.ge [sflag:s29], $0x1  }
0xb4: {  	[sflag:s29] =	ssyncadd.s32 $0xFFFFFFFF  }
0xb5: {  	_ =	strace $0x90000048  }
0xb6: {  	_ =	sfence  }
0xb7: {  	s30 =	sld [smem:$0x0];
	_ =	sdelay $0x2  }
0xb8: {  	s31 =	sshll.u32 s1, $0xD;
	s1 =	sshrl.u32 s1, $0x2  }
0xb9: {  	s3 =	sand.u32 $0x4000, s31;
	s1 =	sadd.s32 s1, s30  }
0xba: {  	s0 =	sor.u32 s3, s0;
	s1 =	sshll.u32 s1, $0x11  }
0xbb: {  	s0 =	sor.u32 s1, s0  }
0xbc: {  	s0 =	sadd.s32 $0x8F2B, s0  }
0xbd: {  	[sflag:s0] =	ssyncadd.remote.s32 $0x1  }
0xbe: {  	_ =	sfence.sel $0xFFFF  }
0xbf: {  	[dreg:$0x0] =	wrdreg $0xFFFFFFFF;
	(pc) =	sbr.abs _section_cstart, $3  }
0xc0: {  	[dreg:$0x1] =	wrdreg $0xFFFFFFFF  }
0xc1: {  	_ =	task.clear_ibuf [dreg:s7], $0x2FFFF;
	_ =	strace $0x9FFFFFFF  }
0xc2: {  	(tm) =	ssettm $0x7FFFFFFF  }
0xc3: {  	_ =	shalt  }
tec
execute0_lowered:
.L_overlay_start_1:
0x0: {  	(tag) =	ssettag $0x1  }
0x1: {  	v0 =	vlaneseq.u32  }
0x2: {  	v9 =	vimm.s32 $0x2380;
	vm0 =	vcmask $0x300;
	v10 =	vimm.s32 $0x6380  }
0x3: {  	vm1 =	vcmask $0x704;
	vm15 =	vcmask $0xB08;
	vm4 =	vcmask $0xF0C  }
0x4: {  	vm5 =	vcmask $0x1310;
	vm6 =	vcmask $0x1714;
	vm7 =	vcmask $0x1B18  }
0x5: {  	vm8 =	vcmask $0x1F1C;
	vm9 =	vcmask $0x2320;
	vm10 =	vcmask $0x2724  }
0x6: {  	vm11 =	vcmask $0x2B28;
	v9 =	vsel vm0, $0x0, v9;
	v10 =	vsel vm0, $0x4000, v10  }
0x7: {  	vm12 =	vcmask $0x2F2C;
	v9 =	vsel vm1, $0x80, v9;
	v10 =	vsel vm1, $0x4080, v10  }
0x8: {  	vm13 =	vcmask $0x3330;
	v9 =	vsel vm15, $0x100, v9;
	v10 =	vsel vm15, $0x4100, v10  }
0x9: {  	v0 =	vmul.u32 $0x80, v0;
	v9 =	vsel vm4, $0x180, v9;
	v10 =	vsel vm4, $0x4180, v10  }
0xa: {  	s3 =	rddreg [dreg:$0x0];
	vm14 =	vcmask $0x3734;
	v9 =	vsel vm5, $0x200, v9;
	v10 =	vsel vm5, $0x4200, v10  }
0xb: {  	s5 =	rddreg [dreg:$0x1];
	s2 =	srdreg.scid;
	v62 =	vor.u32 $0x800, v0;
	v9 =	vsel vm6, $0x280, v9;
	v10 =	vsel vm6, $0x4280, v10  }
0xc: {  	s0 =	rddreg [dreg:$0x2];
	s1 =	stileid.u32;
	v2 =	vor.u32 $0x1, v0;
	v9 =	vsel vm7, $0x300, v9;
	v10 =	vsel vm7, $0x4300, v10  }
0xd: {  	s10 =	simm.s32 $0x9000;
	s11 =	simm.s32 $0x0;
	s4 =	sand.u32 $0x1, s2;
	v3 =	vor.u32 $0x801, v0;
	v9 =	vsel vm8, $0x380, v9;
	v10 =	vsel vm8, $0x4380, v10  }
0xe: {  	s2 =	simm.s32 $0x0;
	s6 =	sshll.u32 s1, $0x6;
	s7 =	sshll.u32 s4, $0x5;
	v4 =	vor.u32 $0x2, v0;
	v9 =	vsel vm9, $0x2000, v9;
	v10 =	vsel vm9, $0x6000, v10  }
0xf: {  	[smem:$0x7FF] =	sst s2;
	s4 =	ssub.s32 $0x2, s4;
	v5 =	vor.u32 $0x802, v0;
	s6 =	sor.u32 s7, s6;
	v9 =	vsel vm10, $0x2080, v9;
	v10 =	vsel vm10, $0x6080, v10  }
0x10: {  	v6 =	vor.u32 $0x3, v0;
	_ =	strace $0x80000047;
	s9 =	sshrl.u32 s4, $0x1;
	s7 =	sshll.u32 s6, $0x7;
	v9 =	vsel vm11, $0x2100, v9;
	v10 =	vsel vm11, $0x6100, v10  }
0x11: {  	v7 =	vor.u32 $0x803, v0;
	s8 =	sshll.u32 s6, $0x4;
	s9 =	ssub.s32 s4, s9;
	s6 =	sshrl.u32 s6, $0x3;
	v9 =	vsel vm12, $0x2180, v9;
	v10 =	vsel vm12, $0x6180, v10  }
0x12: {  	v8 =	vor.u32 $0x4, v0;
	s7 =	sadd.s32 s7, s3;
	s8 =	sadd.s32 s8, s3;
	s5 =	sadd.s32 s5, s6;
	v9 =	vsel vm13, $0x2200, v9;
	v10 =	vsel vm13, $0x6200, v10  }
0x13: {  	vm15 =	vcmask $0x3B38;
	s6 =	smax.u32 s9, $0x1;
	s9 =	simm.s32 $0x1;
	s3 =	sadd.s32 $0x1600, s7;
	v11 =	vsel vm14, $0x2280, v9;
	v12 =	vsel vm14, $0x6280, v10  }
0x14: {  	s4 =	sadd.s32 $0x21600, s8;
	s7 =	simm.s32 $0x8000;
	s8 =	simm.s32 $0x2;
	v9 =	vor.u32 $0x804, v0;
	v10 =	vsel vm15, $0x2300, v11;
	v11 =	vsel vm15, $0x6300, v12  }
.LBB2_1:
0x15: {  	v12 =	vimm.s32 $0x0;
	v19 =	vimm.f32 $1.000000020e+30;
	v21 =	vimm.f32 $1.000000020e+30  }
0x16: {  	[tilespmem:s2], [sflag:$0x1] =	stream.linear.gather [hbm4b:s3+s2], $0x8000, $0x38;
	v20 =	vimm.f32 $1.000000020e+30;
	v22 =	vimm.f32 $1.000000020e+30;
	v23 =	vimm.f32 $1.000000020e+30;
	[tilespmem:$0x9080] =	vst v63  }
0x17: {  	v25 =	vimm.f32 $1.000000020e+30;
	v26 =	vimm.f32 $1.000000020e+30;
	v27 =	vimm.f32 $1.000000020e+30  }
0x18: {  	v28 =	vimm.f32 $1.000000020e+30;
	v29 =	vimm.f32 $1.000000020e+30;
	v30 =	vimm.f32 $1.000000020e+30;
	[tilespmem:s7], [sflag:$0x2] =	stream.linear.gather [hbm4b:s4+s2], $0x1000, $0x38;
	[tilespmem:$0x9080] =	vst v63  }
0x19: {  	v31 =	vimm.f32 $1.000000020e+30;
	v32 =	vimm.f32 $1.000000020e+30;
	v33 =	vimm.f32 $1.000000020e+30;
	_ =	swait.ge [sflag:s8], $0x1000  }
0x1a: {  	v35 =	vimm.f32 $1.000000020e+30;
	v36 =	vimm.f32 $1.000000020e+30;
	v37 =	vimm.f32 $1.000000020e+30;
	[sflag:s8] =	ssyncset.done $0x0  }
0x1b: {  	s12 =	simm.s32 $0x19;
	v40 =	vimm.f32 $1.000000020e+30;
	v42 =	vimm.f32 $1.000000020e+30;
	v43 =	vimm.f32 $1.000000020e+30;
	[sflag:s8] =	ssyncadd.s32 $0xFFFFF000  }
.LBB2_2:
0x1c: {  	v13 =	vadd.s32 v0, v12;
	_ =	sdelay $0x2  }
0x1d: {  	v14 =	vadd.s32 v62, v12  }
0x1e: {  	v46 =	vadd.s32 v2, v12  }
0x1f: {  	v13 =	vld.idx.msk [tilespmem:v13+s7+$0x0], $0xffff;
	_ =	sdelay $0x2  }
0x20: {  	v14 =	vld.idx.msk [tilespmem:v14+s7+$0x0], $0xffff  }
0x21: {  	v56 =	vadd.s32 v3, v12;
	v60 =	vadd.s32 v4, v12;
	v54 =	vld.idx.msk [tilespmem:v46+s7+$0x0], $0xffff;
	v46 =	vadd.s32 v5, v12  }
0x22: {  	v15 =	vmax.f32 v13, v43;
	v16 =	vmax.f32 v13, v42;
	v17 =	vmax.f32 v13, v40  }
0x23: {  	v18 =	vmax.f32 v13, v37;
	v24 =	vmax.f32 v13, v36;
	v34 =	vmax.f32 v13, v35  }
0x24: {  	v45 =	vmax.f32 v13, v33;
	v47 =	vmin.f32 v43, v13;
	v50 =	vmax.f32 v13, v32  }
0x25: {  	v13 =	vmax.f32 v13, v31;
	v51 =	vmax.f32 v14, v29;
	v52 =	vmax.f32 v14, v27  }
0x26: {  	v53 =	vmax.f32 v14, v26;
	v55 =	vmax.f32 v14, v23;
	v29 =	vmin.f32 v29, v14  }
0x27: {  	v57 =	vmax.f32 v14, v20;
	v15 =	vmin.f32 v42, v15;
	v16 =	vmin.f32 v40, v16  }
0x28: {  	v17 =	vmin.f32 v37, v17;
	v18 =	vmin.f32 v36, v18;
	v24 =	vmin.f32 v35, v24  }
0x29: {  	v48 =	vmin.f32 v33, v34;
	v49 =	vmin.f32 v32, v45;
	v31 =	vmin.f32 v31, v50  }
0x2a: {  	v13 =	vmin.f32 v30, v13;
	v30 =	vmin.f32 v28, v51;
	v28 =	vmax.f32 v14, v28  }
0x2b: {  	v26 =	vmin.f32 v26, v52;
	v37 =	vmin.f32 v47, v54;
	v50 =	vadd.s32 v6, v12  }
0x2c: {  	v27 =	vmin.f32 v27, v28;
	v28 =	vmin.f32 v25, v53;
	v25 =	vmax.f32 v14, v25  }
0x2d: {  	v58 =	vmax.f32 v54, v16;
	v59 =	vmax.f32 v54, v18;
	v33 =	vmax.f32 v54, v48  }
0x2e: {  	v61 =	vmax.f32 v54, v49;
	v23 =	vmin.f32 v23, v25;
	v25 =	vmin.f32 v22, v55  }
0x2f: {  	v22 =	vmax.f32 v14, v22;
	v14 =	vmax.f32 v14, v21;
	v21 =	vmin.f32 v21, v57  }
0x30: {  	v42 =	vld.idx.msk [tilespmem:v60+s7+$0x0], $0xffff;
	v33 =	vmin.f32 v49, v33;
	v20 =	vmin.f32 v20, v22;
	v22 =	vmax.f32 v54, v15  }
0x31: {  	v63 =	vmin.f32 v31, v61;
	v31 =	vmax.f32 v54, v31;
	v16 =	vmin.f32 v16, v22;
	v22 =	vld.idx.msk [tilespmem:v56+s7+$0x0], $0xffff  }
0x32: {  	v14 =	vmin.f32 v19, v14;
	v19 =	vmax.f32 v54, v47;
	v13 =	vmin.f32 v13, v31  }
0x33: {  	v15 =	vmin.f32 v15, v19;
	v19 =	vmin.f32 v17, v58;
	v17 =	vmax.f32 v54, v17  }
0x34: {  	v56 =	vadd.s32 v7, v12;
	v17 =	vmin.f32 v18, v17;
	v18 =	vmin.f32 v24, v59  }
0x35: {  	v24 =	vmax.f32 v54, v24;
	v47 =	vmax.f32 v42, v37;
	v37 =	vmin.f32 v37, v42  }
0x36: {  	v51 =	vmax.f32 v42, v33;
	v32 =	vmax.f32 v42, v63;
	v41 =	vmax.f32 v22, v30  }
0x37: {  	v40 =	vmax.f32 v22, v29;
	v31 =	vmin.f32 v27, v41;
	v27 =	vmax.f32 v22, v27  }
0x38: {  	v43 =	vmax.f32 v22, v26;
	v44 =	vmax.f32 v22, v28;
	v26 =	vmin.f32 v26, v27  }
0x39: {  	v27 =	vmin.f32 v28, v43;
	v28 =	vmin.f32 v23, v44;
	v23 =	vmax.f32 v22, v23  }
0x3a: {  	v45 =	vmax.f32 v22, v25;
	v29 =	vmin.f32 v29, v22;
	v23 =	vmin.f32 v25, v23  }
0x3b: {  	v55 =	vld.idx.msk [tilespmem:v50+s7+$0x0], $0xffff;
	v25 =	vmin.f32 v20, v45;
	v20 =	vmax.f32 v22, v20;
	v22 =	vmax.f32 v22, v21  }
0x3c: {  	v24 =	vmin.f32 v48, v24;
	v20 =	vmin.f32 v21, v20;
	v14 =	vmin.f32 v14, v22  }
0x3d: {  	v21 =	vmin.f32 v15, v47;
	v15 =	vmax.f32 v42, v15;
	v22 =	vmax.f32 v42, v16  }
0x3e: {  	v48 =	vmax.f32 v42, v19;
	v15 =	vmin.f32 v16, v15;
	v16 =	vmin.f32 v19, v22;
	v22 =	vld.idx.msk [tilespmem:v46+s7+$0x0], $0xffff  }
0x3f: {  	v49 =	vmax.f32 v42, v18;
	v52 =	vmin.f32 v63, v51;
	v13 =	vmin.f32 v13, v32  }
0x40: {  	v30 =	vmin.f32 v30, v40;
	v38 =	vmin.f32 v37, v55;
	v34 =	vmax.f32 v55, v52  }
0x41: {  	v35 =	vld.idx.msk [tilespmem:v56+s7+$0x0], $0xffff;
	v13 =	vmin.f32 v13, v34;
	v19 =	vmin.f32 v17, v48;
	v17 =	vmax.f32 v42, v17  }
0x42: {  	v17 =	vmin.f32 v18, v17;
	v18 =	vmin.f32 v24, v49;
	v24 =	vmax.f32 v42, v24  }
0x43: {  	v24 =	vmin.f32 v33, v24;
	v58 =	vmax.f32 v55, v18;
	v53 =	vmin.f32 v29, v22  }
0x44: {  	v29 =	vmax.f32 v22, v29;
	v54 =	vmax.f32 v22, v30;
	v57 =	vmax.f32 v22, v28  }
0x45: {  	v29 =	vmin.f32 v30, v29;
	v30 =	vmin.f32 v31, v54;
	v31 =	vmax.f32 v22, v31  }
0x46: {  	v59 =	vmax.f32 v35, v53;
	v31 =	vmin.f32 v26, v31;
	v26 =	vmax.f32 v22, v26  }
0x47: {  	v46 =	vmin.f32 v53, v35;
	v26 =	vmin.f32 v27, v26;
	v27 =	vmax.f32 v22, v27  }
0x48: {  	v27 =	vmin.f32 v28, v27;
	v28 =	vmin.f32 v23, v57;
	v23 =	vmax.f32 v22, v23  }
0x49: {  	v23 =	vmin.f32 v25, v23;
	v25 =	vmax.f32 v22, v25;
	v22 =	vmax.f32 v22, v20  }
0x4a: {  	v20 =	vmin.f32 v20, v25;
	v14 =	vmin.f32 v14, v22;
	v22 =	vmax.f32 v55, v37  }
0x4b: {  	v25 =	vmax.f32 v55, v15;
	v22 =	vmin.f32 v21, v22;
	v21 =	vmax.f32 v55, v21  }
0x4c: {  	v15 =	vmin.f32 v15, v21;
	v21 =	vmin.f32 v16, v25;
	v25 =	vadd.s32 v8, v12  }
0x4d: {  	v60 =	vmin.f32 v29, v59;
	v29 =	vmax.f32 v35, v29;
	v61 =	vmax.f32 v35, v30  }
0x4e: {  	v63 =	vmax.f32 v35, v31;
	v29 =	vmin.f32 v30, v29;
	v39 =	vmin.f32 v31, v61  }
0x4f: {  	v31 =	vadd.s32 v9, v12;
	v41 =	vmin.f32 v26, v63;
	v26 =	vmax.f32 v35, v26  }
0x50: {  	v30 =	vmax.f32 v35, v27;
	v44 =	vmin.f32 v27, v26;
	v26 =	vmax.f32 v35, v28  }
0x51: {  	v45 =	vmin.f32 v28, v30;
	v47 =	vmin.f32 v23, v26;
	v23 =	vmax.f32 v35, v23;
	v25 =	vld.idx.msk [tilespmem:v25+s7+$0x0], $0xffff  }
0x52: {  	v48 =	vmin.f32 v20, v23;
	v20 =	vmax.f32 v35, v20;
	v16 =	vmax.f32 v55, v16  }
0x53: {  	v14 =	vmin.f32 v14, v20;
	v16 =	vmin.f32 v19, v16;
	v19 =	vmax.f32 v55, v19  }
0x54: {  	v12 =	vadd.s32 $0x5, v12;
	v19 =	vmin.f32 v17, v19;
	v17 =	vmax.f32 v55, v17  }
0x55: {  	v17 =	vmin.f32 v18, v17;
	v18 =	vmin.f32 v24, v58;
	v24 =	vmax.f32 v55, v24  }
0x56: {  	v24 =	vmin.f32 v52, v24;
	v23 =	vmax.f32 v25, v38;
	v20 =	vmax.f32 v25, v22  }
0x57: {  	v49 =	vld.idx.msk [tilespmem:v31+s7+$0x0], $0xffff;
	v43 =	vmin.f32 v38, v25;
	v40 =	vmin.f32 v15, v20;
	v15 =	vmax.f32 v25, v15  }
0x58: {  	v42 =	vmin.f32 v22, v23;
	v37 =	vmin.f32 v21, v15;
	v15 =	vmax.f32 v25, v16  }
0x59: {  	v20 =	vmax.f32 v25, v21;
	v35 =	vmin.f32 v19, v15;
	v15 =	vmax.f32 v25, v19  }
0x5a: {  	v36 =	vmin.f32 v16, v20;
	v33 =	vmin.f32 v17, v15;
	v15 =	vmax.f32 v25, v18  }
0x5b: {  	v16 =	vmax.f32 v25, v17;
	v31 =	vmin.f32 v24, v15;
	v15 =	vmax.f32 v25, v24  }
0x5c: {  	v32 =	vmin.f32 v18, v16;
	v30 =	vmin.f32 v13, v15;
	v13 =	vmax.f32 v49, v46  }
0x5d: {  	p0 =	sne.s32 s12, $0x1;
	v15 =	vmax.f32 v49, v60;
	v28 =	vmin.f32 v60, v13;
	v13 =	vmax.f32 v49, v29  }
.Ltmp0:
0x5e: {  	v27 =	vmin.f32 v29, v15;
	v26 =	vmin.f32 v39, v13;
	v13 =	vmax.f32 v49, v39;
	(pc) =	sbr.rel @p0 .LBB2_2-.Ltmp0, $4  }
0x5f: {  	v15 =	vmax.f32 v49, v41;
	v25 =	vmin.f32 v41, v13;
	v13 =	vmax.f32 v49, v44  }
0x60: {  	v23 =	vmin.f32 v44, v15;
	v22 =	vmin.f32 v45, v13;
	v13 =	vmax.f32 v49, v45  }
0x61: {  	v15 =	vmax.f32 v49, v48;
	v20 =	vmin.f32 v47, v13;
	v13 =	vmax.f32 v49, v47  }
0x62: {  	s12 =	sadd.s32 $0xFFFFFFFF, s12;
	v29 =	vmin.f32 v46, v49;
	v19 =	vmin.f32 v14, v15;
	v21 =	vmin.f32 v48, v13  }
0x63: {  	v12 =	vimm.f32 $1.000000020e+30;
	v13 =	vimm.f32 $1.000000020e+30  }
0x64: {  	v14 =	vimm.f32 $1.000000020e+30;
	v16 =	vimm.f32 $1.000000020e+30;
	v17 =	vimm.f32 $1.000000020e+30  }
0x65: {  	v18 =	vimm.f32 $1.000000020e+30;
	v24 =	vimm.f32 $1.000000020e+30;
	v34 =	vimm.f32 $1.000000020e+30  }
0x66: {  	v41 =	vimm.f32 $1.000000020e+30;
	v38 =	vimm.f32 $1.000000020e+30;
	v15 =	vimm.f32 $1.000000020e+30  }
0x67: {  	_ =	swait.ge [sflag:s9], $0x8000;
	v39 =	vimm.f32 $1.000000020e+30;
	v44 =	vimm.f32 $1.000000020e+30;
	v45 =	vimm.f32 $1.000000020e+30  }
0x68: {  	v46 =	vimm.f32 $1.000000020e+30;
	v47 =	vimm.f32 $1.000000020e+30;
	v48 =	vimm.f32 $1.000000020e+30;
	[sflag:s9] =	ssyncset.done $0x0  }
0x69: {  	s12 =	simm.s32 $0xA;
	v49 =	vimm.f32 $1.000000020e+30;
	v50 =	vimm.f32 $1.000000020e+30;
	v51 =	vimm.f32 $1.000000020e+30;
	[sflag:s9] =	ssyncadd.s32 $0xFFFF8000  }
.LBB2_4:
0x6a: {  	p0 =	seq.s32 s12, $0x9  }
0x6b: {  	p5 =	seq.s32 s12, $0x8;
	v52 =	vpsel p0, v42, v43  }
0x6c: {  	p1 =	seq.s32 s12, $0x7;
	v52 =	vpsel p5, v40, v52  }
0x6d: {  	p6 =	seq.s32 s12, $0x6;
	s13 =	simm.s32 @!p0 $0x0;
	v52 =	vpsel p1, v37, v52  }
0x6e: {  	p2 =	seq.s32 s12, $0x5;
	s13 =	simm.s32 @p0 $0x1;
	p0 =	seq.s32 s12, $0x4;
	v52 =	vpsel p6, v36, v52  }
0x6f: {  	[smem:$0x7FB] =	sst s13;
	s13 =	simm.s32 @!p0 $0x0;
	v52 =	vpsel p2, v35, v52  }
0x70: {  	s13 =	simm.s32 @p0 $0x1;
	v52 =	vpsel p0, v33, v52;
	p0 =	seq.s32 s12, $0x3  }
0x71: {  	p4 =	seq.s32 s12, $0x2;
	[smem:$0x7FC] =	sst s13;
	s13 =	simm.s32 @!p0 $0x0;
	v52 =	vpsel p0, v32, v52  }
0x72: {  	s13 =	simm.s32 @p0 $0x1;
	v52 =	vpsel p4, v31, v52;
	p0 =	seq.s32 s12, $0x1  }
0x73: {  	s29 =	sld [smem:$0x7FB];
	v52 =	vpsel p0, v30, v52  }
0x74: {  	v53 =	vand.u32 $0x7F, v52  }
0x75: {  	v52 =	vor.u32 v10, v53  }
0x76: {  	p3 =	seq.s32 s29, $0x1  }
0x77: {  	s30 =	sld [smem:$0x7FC];
	v54 =	vpsel p3, v28, v29  }
0x78: {  	[smem:$0x7FD] =	sst s13;
	v54 =	vpsel p5, v27, v54  }
0x79: {  	v54 =	vpsel p1, v26, v54;
	s31 =	sld [smem:$0x7FD]  }
0x7a: {  	v63 =	vadd.s32 $0x7D, v53;
	v54 =	vpsel p6, v25, v54;
	v55 =	vld.idx.msk [tilespmem:v52+s2+$0x0], $0xffff  }
0x7b: {  	p5 =	seq.s32 s30, $0x1;
	v56 =	vshll.u32 v63, $0x3;
	v54 =	vpsel p2, v23, v54  }
0x7c: {  	v56 =	vand.u32 $0x400, v56;
	v54 =	vpsel p5, v22, v54;
	p6 =	seq.s32 s31, $0x1;
	v52 =	vand.u32 $0x7F, v63  }
0x7d: {  	v54 =	vpsel p6, v20, v54;
	v52 =	vor.u32 v56, v52  }
0x7e: {  	v57 =	vadd.s32 $0xFA, v53;
	v56 =	vor.u32 v10, v52;
	v52 =	vpsel p4, v21, v54  }
0x7f: {  	v52 =	vpsel p0, v19, v52;
	v58 =	vmax.f32 v55, v51;
	v51 =	vmin.f32 v51, v55  }
0x80: {  	v59 =	vmax.f32 v55, v50;
	v60 =	vmax.f32 v55, v49;
	v61 =	vmax.f32 v55, v48  }
0x81: {  	v63 =	vmax.f32 v55, v47;
	v54 =	vmin.f32 v50, v58;
	v50 =	vmin.f32 v49, v59  }
0x82: {  	v49 =	vmin.f32 v48, v60;
	v58 =	vshll.u32 v57, $0x3;
	v48 =	vmin.f32 v47, v61  }
0x83: {  	v57 =	vand.u32 $0x7F, v57;
	v60 =	vmax.f32 v55, v46;
	v46 =	vmin.f32 v46, v63;
	v56 =	vld.idx.msk [tilespmem:v56+s2+$0x0], $0xffff  }
0x84: {  	v61 =	vmax.f32 v55, v45;
	v63 =	vmax.f32 v55, v44;
	v58 =	vand.u32 $0xC00, v58  }
0x85: {  	v55 =	vmax.f32 v55, v39;
	v47 =	vmin.f32 v45, v60;
	v57 =	vor.u32 v58, v57  }
0x86: {  	v44 =	vmin.f32 v44, v61;
	v60 =	vadd.s32 $0x177, v53;
	v57 =	vor.u32 v10, v57  }
0x87: {  	v39 =	vmin.f32 v39, v63;
	v15 =	vmin.f32 v15, v55;
	v61 =	vshll.u32 v60, $0x3  }
0x88: {  	v45 =	vmin.f32 v51, v56;
	v51 =	vmax.f32 v56, v51;
	v59 =	vmax.f32 v56, v54  }
0x89: {  	v51 =	vmin.f32 v54, v51;
	v54 =	vmin.f32 v50, v59;
	v50 =	vmax.f32 v56, v50  }
0x8a: {  	v58 =	vand.u32 $0xC00, v61;
	v50 =	vmin.f32 v49, v50;
	v49 =	vmax.f32 v56, v49  }
0x8b: {  	v55 =	vld.idx.msk [tilespmem:v57+s2+$0x0], $0xffff;
	v57 =	vand.u32 $0x7F, v60;
	v49 =	vmin.f32 v48, v49;
	v48 =	vmax.f32 v56, v48  }
0x8c: {  	v57 =	vor.u32 v58, v57;
	v48 =	vmin.f32 v46, v48;
	v46 =	vmax.f32 v56, v46  }
0x8d: {  	v63 =	vmax.f32 v56, v47;
	v57 =	vor.u32 v10, v57;
	v46 =	vmin.f32 v47, v46  }
0x8e: {  	v47 =	vmin.f32 v44, v63;
	v44 =	vmax.f32 v56, v44;
	v56 =	vmax.f32 v56, v39  }
0x8f: {  	v52 =	vand.u32 $0x7F, v52;
	v39 =	vmin.f32 v39, v44;
	v15 =	vmin.f32 v15, v56  }
0x90: {  	v60 =	vmax.f32 v55, v45;
	v61 =	vmax.f32 v55, v54;
	v63 =	vmax.f32 v55, v50  }
0x91: {  	v44 =	vmin.f32 v51, v60;
	v51 =	vmax.f32 v55, v51;
	v50 =	vmin.f32 v50, v61  }
0x92: {  	v60 =	vmax.f32 v55, v48;
	v61 =	vadd.s32 $0x1F4, v53;
	v51 =	vmin.f32 v54, v51  }
0x93: {  	v54 =	vmin.f32 v49, v63;
	v49 =	vmax.f32 v55, v49;
	v57 =	vld.idx.msk [tilespmem:v57+s2+$0x0], $0xffff;
	v63 =	vshll.u32 v61, $0x3  }
0x94: {  	v58 =	vand.u32 $0x7F, v61;
	v48 =	vmin.f32 v48, v49;
	v56 =	vand.u32 $0x1C00, v63  }
0x95: {  	v49 =	vmin.f32 v46, v60;
	v46 =	vmax.f32 v55, v46;
	v56 =	vor.u32 v56, v58  }
0x96: {  	v46 =	vmin.f32 v47, v46;
	v47 =	vmax.f32 v55, v47;
	v56 =	vor.u32 v10, v56  }
0x97: {  	v45 =	vmin.f32 v45, v55;
	v55 =	vmax.f32 v55, v39;
	v39 =	vmin.f32 v39, v47  }
0x98: {  	v15 =	vmin.f32 v15, v55;
	v47 =	vmin.f32 v45, v57;
	v45 =	vmax.f32 v57, v45  }
0x99: {  	v60 =	vmax.f32 v57, v44;
	v61 =	vmax.f32 v57, v51;
	v44 =	vmin.f32 v44, v45  }
0x9a: {  	v45 =	vmin.f32 v51, v60;
	v51 =	vmin.f32 v50, v61;
	v50 =	vmax.f32 v57, v50  }
0x9b: {  	v63 =	vmax.f32 v57, v54;
	v60 =	vadd.s32 $0x271, v53;
	v50 =	vmin.f32 v54, v50;
	v55 =	vld.idx.msk [tilespmem:v56+s2+$0x0], $0xffff  }
0x9c: {  	v54 =	vmin.f32 v48, v63;
	v61 =	vshll.u32 v60, $0x3;
	v48 =	vmax.f32 v57, v48  }
0x9d: {  	v58 =	vand.u32 $0x7F, v60;
	v63 =	vmax.f32 v57, v46;
	v56 =	vand.u32 $0x1400, v61  }
0x9e: {  	v48 =	vmin.f32 v49, v48;
	v49 =	vmax.f32 v57, v49;
	v57 =	vmax.f32 v57, v39  }
0x9f: {  	v39 =	vmin.f32 v39, v63;
	v56 =	vor.u32 v56, v58;
	v46 =	vmin.f32 v46, v49  }
0xa0: {  	v15 =	vmin.f32 v15, v57;
	v56 =	vor.u32 v10, v56;
	v60 =	vmax.f32 v55, v47  }
0xa1: {  	v61 =	vmax.f32 v55, v44;
	v63 =	vmax.f32 v55, v45;
	v47 =	vmin.f32 v47, v55  }
0xa2: {  	v44 =	vmin.f32 v44, v60;
	v45 =	vmin.f32 v45, v61;
	v49 =	vmin.f32 v51, v63  }
0xa3: {  	v51 =	vmax.f32 v55, v51;
	v60 =	vmax.f32 v55, v50;
	v61 =	vadd.s32 $0x2EE, v53  }
0xa4: {  	v50 =	vmin.f32 v50, v51;
	v51 =	vmin.f32 v54, v60;
	v63 =	vshll.u32 v61, $0x3  }
0xa5: {  	v56 =	vld.idx.msk [tilespmem:v56+s2+$0x0], $0xffff;
	v54 =	vmax.f32 v55, v54;
	v58 =	vand.u32 $0x7F, v61;
	v57 =	vand.u32 $0x1C00, v63  }
0xa6: {  	v53 =	vadd.s32 $0x36B, v53;
	v54 =	vmin.f32 v48, v54;
	v57 =	vor.u32 v57, v58  }
0xa7: {  	v48 =	vmax.f32 v55, v48;
	v63 =	vshll.u32 v53, $0x3;
	v57 =	vor.u32 v10, v57  }
0xa8: {  	v53 =	vand.u32 $0x7F, v53;
	v48 =	vmin.f32 v46, v48;
	v46 =	vmax.f32 v55, v46  }
0xa9: {  	v58 =	vor.u32 v11, v52;
	v46 =	vmin.f32 v39, v46;
	v39 =	vmax.f32 v55, v39  }
0xaa: {  	v15 =	vmin.f32 v15, v39;
	v59 =	vmax.f32 v56, v47;
	v60 =	vmax.f32 v56, v44  }
0xab: {  	v39 =	vmin.f32 v44, v59;
	v44 =	vmin.f32 v45, v60;
	v45 =	vmax.f32 v56, v45  }
0xac: {  	v61 =	vmax.f32 v56, v49;
	v45 =	vmin.f32 v49, v45;
	v55 =	vld.idx.msk [tilespmem:v57+s2+$0x0], $0xffff;
	v57 =	vand.u32 $0x1C00, v63  }
0xad: {  	v49 =	vmin.f32 v50, v61;
	v50 =	vmax.f32 v56, v50;
	v53 =	vor.u32 v57, v53  }
0xae: {  	v50 =	vmin.f32 v51, v50;
	v51 =	vmax.f32 v56, v51;
	v53 =	vor.u32 v10, v53  }
0xaf: {  	v47 =	vmin.f32 v47, v56;
	v51 =	vmin.f32 v54, v51;
	v54 =	vmax.f32 v56, v54  }
0xb0: {  	v54 =	vmin.f32 v48, v54;
	v48 =	vmax.f32 v56, v48;
	v56 =	vmax.f32 v56, v46  }
0xb1: {  	v46 =	vmin.f32 v46, v48;
	v15 =	vmin.f32 v15, v56;
	v60 =	vmax.f32 v55, v47  }
0xb2: {  	v47 =	vmin.f32 v47, v55;
	v61 =	vmax.f32 v55, v45;
	v63 =	vmax.f32 v55, v50  }
0xb3: {  	v48 =	vmin.f32 v39, v60;
	v39 =	vmax.f32 v55, v39;
	v56 =	vmin.f32 v51, v63;
	v53 =	vld.idx.msk [tilespmem:v53+s2+$0x0], $0xffff  }
0xb4: {  	v60 =	vmax.f32 v55, v51;
	v63 =	vmax.f32 v55, v46;
	v39 =	vmin.f32 v44, v39  }
0xb5: {  	v44 =	vmax.f32 v55, v44;
	v15 =	vmin.f32 v15, v63;
	v63 =	vadd.s32 $0x7D, v52  }
0xb6: {  	v44 =	vmin.f32 v45, v44;
	v45 =	vmin.f32 v49, v61;
	v49 =	vmax.f32 v55, v49  }
0xb7: {  	v61 =	vmax.f32 v55, v54;
	v54 =	vmin.f32 v54, v60;
	v57 =	vmin.f32 v50, v49  }
0xb8: {  	v58 =	vld.idx.msk [tilespmem:v58+s2+$0x0], $0xffff;
	v55 =	vmin.f32 v46, v61;
	v51 =	vmin.f32 v47, v53;
	v59 =	vmax.f32 v53, v47  }
0xb9: {  	v60 =	vmax.f32 v53, v48;
	v61 =	vmax.f32 v53, v44;
	v50 =	vmin.f32 v48, v59  }
0xba: {  	v49 =	vmin.f32 v39, v60;
	v39 =	vmax.f32 v53, v39;
	v47 =	vmin.f32 v45, v61  }
0xbb: {  	v59 =	vmax.f32 v53, v45;
	v60 =	vshll.u32 v63, $0x3;
	v61 =	vand.u32 $0x7F, v63  }
0xbc: {  	v48 =	vmin.f32 v44, v39;
	v46 =	vmin.f32 v57, v59;
	v63 =	vand.u32 $0x400, v60  }
0xbd: {  	v59 =	vmax.f32 v53, v57;
	v60 =	vmax.f32 v53, v56;
	v57 =	vmax.f32 v58, v41  }
0xbe: {  	v39 =	vor.u32 v63, v61;
	v45 =	vmin.f32 v56, v59;
	v44 =	vmin.f32 v54, v60  }
0xbf: {  	v61 =	vmax.f32 v53, v54;
	v53 =	vmax.f32 v53, v55;
	v56 =	vor.u32 v11, v39  }
0xc0: {  	v63 =	vmax.f32 v58, v38;
	v59 =	vmax.f32 v58, v34;
	v60 =	vmax.f32 v58, v24  }
0xc1: {  	v34 =	vmin.f32 v34, v57;
	v39 =	vmin.f32 v55, v61;
	v15 =	vmin.f32 v15, v53  }
0xc2: {  	v53 =	vmin.f32 v41, v63;
	v24 =	vmin.f32 v24, v59;
	v41 =	vmin.f32 v18, v60  }
0xc3: {  	v18 =	vmax.f32 v58, v18;
	v61 =	vmax.f32 v58, v17;
	v63 =	vadd.s32 $0xFA, v52  }
0xc4: {  	v17 =	vmin.f32 v17, v18;
	v18 =	vmin.f32 v16, v61;
	v60 =	vshll.u32 v63, $0x3;
	v55 =	vld.idx.msk [tilespmem:v56+s2+$0x0], $0xffff  }
0xc5: {  	v16 =	vmax.f32 v58, v16;
	v54 =	vand.u32 $0xC00, v60;
	v56 =	vand.u32 $0x7F, v63  }
0xc6: {  	v61 =	vmin.f32 v38, v58;
	v16 =	vmin.f32 v14, v16;
	v54 =	vor.u32 v54, v56  }
0xc7: {  	v14 =	vmax.f32 v58, v14;
	v63 =	vmax.f32 v58, v13;
	v54 =	vor.u32 v11, v54  }
0xc8: {  	v60 =	vadd.s32 $0x177, v52;
	v13 =	vmin.f32 v13, v14;
	v12 =	vmin.f32 v12, v63  }
0xc9: {  	v56 =	vand.u32 $0x7F, v60;
	v14 =	vmax.f32 v55, v61;
	v38 =	vmin.f32 v61, v55  }
0xca: {  	v61 =	vshll.u32 v60, $0x3;
	v14 =	vmin.f32 v53, v14;
	v53 =	vmax.f32 v55, v53  }
0xcb: {  	v63 =	vmax.f32 v55, v17;
	v53 =	vmin.f32 v34, v53;
	v34 =	vmax.f32 v55, v34  }
0xcc: {  	v57 =	vand.u32 $0xC00, v61;
	v54 =	vld.idx.msk [tilespmem:v54+s2+$0x0], $0xffff;
	v34 =	vmin.f32 v24, v34;
	v24 =	vmax.f32 v55, v24  }
0xcd: {  	v56 =	vor.u32 v57, v56;
	v24 =	vmin.f32 v41, v24;
	v41 =	vmax.f32 v55, v41  }
0xce: {  	v60 =	vmax.f32 v55, v16;
	v56 =	vor.u32 v11, v56;
	v17 =	vmin.f32 v17, v41  }
0xcf: {  	v41 =	vmin.f32 v18, v63;
	v18 =	vmax.f32 v55, v18;
	v55 =	vmax.f32 v55, v13  }
0xd0: {  	v13 =	vmin.f32 v13, v60;
	v63 =	vadd.s32 $0x1F4, v52;
	v16 =	vmin.f32 v16, v18  }
0xd1: {  	v12 =	vmin.f32 v12, v55;
	v60 =	vshll.u32 v63, $0x3;
	v18 =	vmin.f32 v38, v54  }
0xd2: {  	v38 =	vmax.f32 v54, v38;
	v61 =	vmax.f32 v54, v14;
	v57 =	vand.u32 $0x1C00, v60  }
0xd3: {  	v14 =	vmin.f32 v14, v38;
	v38 =	vmin.f32 v53, v61;
	v53 =	vmax.f32 v54, v53;
	v55 =	vld.idx.msk [tilespmem:v56+s2+$0x0], $0xffff  }
0xd4: {  	v56 =	vand.u32 $0x7F, v63;
	v53 =	vmin.f32 v34, v53;
	v34 =	vmax.f32 v54, v34  }
0xd5: {  	v61 =	vmax.f32 v54, v41;
	v34 =	vmin.f32 v24, v34;
	v24 =	vmax.f32 v54, v24  }
0xd6: {  	v56 =	vor.u32 v57, v56;
	v24 =	vmin.f32 v17, v24;
	v17 =	vmax.f32 v54, v17  }
0xd7: {  	v56 =	vor.u32 v11, v56;
	v17 =	vmin.f32 v41, v17;
	v41 =	vmin.f32 v16, v61  }
0xd8: {  	v16 =	vmax.f32 v54, v16;
	v54 =	vmax.f32 v54, v13;
	v63 =	vmax.f32 v55, v18  }
0xd9: {  	v13 =	vmin.f32 v13, v16;
	v12 =	vmin.f32 v12, v54;
	v60 =	vmax.f32 v55, v38  }
0xda: {  	v61 =	vmax.f32 v55, v53;
	v16 =	vmin.f32 v14, v63;
	v14 =	vmax.f32 v55, v14  }
0xdb: {  	v18 =	vmin.f32 v18, v55;
	v63 =	vmax.f32 v55, v24;
	v14 =	vmin.f32 v38, v14  }
0xdc: {  	v38 =	vmin.f32 v53, v60;
	v53 =	vmin.f32 v34, v61;
	v34 =	vmax.f32 v55, v34;
	v56 =	vld.idx.msk [tilespmem:v56+s2+$0x0], $0xffff  }
0xdd: {  	v60 =	vadd.s32 $0x271, v52;
	v24 =	vmin.f32 v24, v34;
	v34 =	vmin.f32 v17, v63  }
0xde: {  	v61 =	vshll.u32 v60, $0x3;
	v17 =	vmax.f32 v55, v17;
	v57 =	vand.u32 $0x7F, v60  }
0xdf: {  	v54 =	vand.u32 $0x1400, v61;
	v17 =	vmin.f32 v41, v17;
	v41 =	vmax.f32 v55, v41  }
0xe0: {  	v55 =	vmax.f32 v55, v13;
	v54 =	vor.u32 v54, v57;
	v13 =	vmin.f32 v13, v41  }
0xe1: {  	v12 =	vmin.f32 v12, v55;
	v54 =	vor.u32 v11, v54;
	v41 =	vmin.f32 v18, v56  }
0xe2: {  	v18 =	vmax.f32 v56, v18;
	v63 =	vmax.f32 v56, v16;
	v60 =	vmax.f32 v56, v14  }
0xe3: {  	v61 =	vmax.f32 v56, v53;
	v16 =	vmin.f32 v16, v18;
	v14 =	vmin.f32 v14, v63  }
0xe4: {  	v18 =	vmin.f32 v38, v60;
	v38 =	vmax.f32 v56, v38;
	v63 =	vadd.s32 $0x2EE, v52  }
0xe5: {  	v52 =	vadd.s32 $0x36B, v52;
	v38 =	vmin.f32 v53, v38;
	v60 =	vshll.u32 v63, $0x3  }
0xe6: {  	v53 =	vmin.f32 v24, v61;
	v57 =	vand.u32 $0x7F, v63;
	v55 =	vand.u32 $0x1C00, v60;
	v54 =	vld.idx.msk [tilespmem:v54+s2+$0x0], $0xffff  }
0xe7: {  	v24 =	vmax.f32 v56, v24;
	v61 =	vmax.f32 v56, v17;
	v55 =	vor.u32 v55, v57  }
0xe8: {  	v24 =	vmin.f32 v34, v24;
	v34 =	vmax.f32 v56, v34;
	v55 =	vor.u32 v11, v55  }
0xe9: {  	v56 =	vmax.f32 v56, v13;
	v13 =	vmin.f32 v13, v61;
	v61 =	vshll.u32 v52, $0x3  }
0xea: {  	v52 =	vand.u32 $0x7F, v52;
	v12 =	vmin.f32 v12, v56;
	v56 =	vand.u32 $0x1C00, v61  }
0xeb: {  	v17 =	vmin.f32 v17, v34;
	v52 =	vor.u32 v56, v52;
	v60 =	vmax.f32 v54, v16  }
0xec: {  	v52 =	vor.u32 v11, v52;
	v34 =	vmin.f32 v14, v60;
	v14 =	vmax.f32 v54, v14  }
0xed: {  	v63 =	vmax.f32 v54, v41;
	v55 =	vld.idx.msk [tilespmem:v55+s2+$0x0], $0xffff;
	v14 =	vmin.f32 v18, v14;
	v18 =	vmax.f32 v54, v18  }
0xee: {  	v16 =	vmin.f32 v16, v63;
	v18 =	vmin.f32 v38, v18;
	v38 =	vmax.f32 v54, v38  }
0xef: {  	v63 =	vmax.f32 v54, v24;
	v38 =	vmin.f32 v53, v38;
	v53 =	vmax.f32 v54, v53  }
0xf0: {  	v24 =	vmin.f32 v24, v53;
	v53 =	vmin.f32 v17, v63;
	v17 =	vmax.f32 v54, v17  }
0xf1: {  	v41 =	vmin.f32 v41, v54;
	v17 =	vmin.f32 v13, v17;
	v13 =	vmax.f32 v54, v13  }
0xf2: {  	v52 =	vld.idx.msk [tilespmem:v52+s2+$0x0], $0xffff;
	v60 =	vmax.f32 v55, v16;
	v12 =	vmin.f32 v12, v13;
	v13 =	vmax.f32 v55, v41  }
0xf3: {  	v13 =	vmin.f32 v16, v13;
	v16 =	vmin.f32 v34, v60;
	v34 =	vmax.f32 v55, v34  }
0xf4: {  	v61 =	vmax.f32 v55, v18;
	v54 =	vmin.f32 v14, v34;
	v14 =	vmax.f32 v55, v14  }
0xf5: {  	v63 =	vmin.f32 v41, v55;
	v14 =	vmin.f32 v18, v14;
	v18 =	vmax.f32 v55, v38  }
0xf6: {  	v56 =	vmin.f32 v38, v61;
	v60 =	vmin.f32 v24, v18;
	v18 =	vmax.f32 v55, v24  }
0xf7: {  	v38 =	vmin.f32 v63, v52;
	v61 =	vmin.f32 v53, v18;
	v18 =	vmax.f32 v55, v53  }
0xf8: {  	v24 =	vmax.f32 v55, v17;
	v53 =	vmin.f32 v17, v18;
	v17 =	vmax.f32 v52, v63  }
0xf9: {  	p0 =	sne.s32 s12, $0x1;
	v12 =	vmin.f32 v12, v24;
	v41 =	vmin.f32 v13, v17;
	v13 =	vmax.f32 v52, v13  }
.Ltmp1:
0xfa: {  	v63 =	vmax.f32 v52, v61;
	v34 =	vmin.f32 v16, v13;
	v13 =	vmax.f32 v52, v54;
	(pc) =	sbr.rel @p0 .LBB2_4-.Ltmp1, $4  }
0xfb: {  	v17 =	vmax.f32 v52, v16;
	v18 =	vmin.f32 v14, v13;
	v13 =	vmax.f32 v52, v14  }
0xfc: {  	v24 =	vmin.f32 v54, v17;
	v14 =	vmax.f32 v52, v56;
	v17 =	vmin.f32 v56, v13  }
0xfd: {  	v16 =	vmin.f32 v60, v14;
	v13 =	vmax.f32 v52, v60;
	v52 =	vmax.f32 v52, v53  }
0xfe: {  	s12 =	sadd.s32 $0xFFFFFFFF, s12;
	v14 =	vmin.f32 v61, v13;
	v13 =	vmin.f32 v53, v63;
	v12 =	vmin.f32 v12, v52  }
0xff: {  	v19 =	vshra.s32 v51, $0x1  }
0x100: {  	v19 =	vadd.s32 $0x1FBD1DF5, v19  }
0x101: {  	(erf) = vrcp.f32 v19;
	_ =	sdelay $0x8  }
0x102: {  	v20 =	vpop (erf)  }
0x103: {  	v20 =	vmul.f32 v20, v51;
	_ =	sdelay $0x1  }
0x104: {  	v19 =	vadd.f32 v19, v20;
	_ =	sdelay $0x1  }
0x105: {  	v21 =	vmul.f32 $5.000000000e-01, v19  }
0x106: {  	v28 =	vshra.s32 v50, $0x1  }
0x107: {  	v19 =	vadd.s32 $0x1FBD1DF5, v28;
	(erf) = vrcp.f32 v21  }
0x108: {  	(erf) = vrcp.f32 v19;
	_ =	sdelay $0x7  }
0x109: {  	v60 =	vpop (erf)  }
0x10a: {  	v29 =	vpop (erf)  }
0x10b: {  	v20 =	vmul.f32 v29, v50;
	_ =	sdelay $0x1  }
0x10c: {  	v19 =	vadd.f32 v19, v20;
	_ =	sdelay $0x1  }
0x10d: {  	v25 =	vmul.f32 $5.000000000e-01, v19  }
0x10e: {  	v30 =	vshra.s32 v49, $0x1  }
0x10f: {  	v19 =	vadd.s32 $0x1FBD1DF5, v30;
	(erf) = vrcp.f32 v25  }
0x110: {  	(erf) = vrcp.f32 v19;
	_ =	sdelay $0x7  }
0x111: {  	v1 =	vpop (erf)  }
0x112: {  	v31 =	vpop (erf)  }
0x113: {  	v20 =	vmul.f32 v31, v49;
	_ =	sdelay $0x1  }
0x114: {  	v19 =	vadd.f32 v19, v20;
	_ =	sdelay $0x1  }
0x115: {  	v27 =	vmul.f32 $5.000000000e-01, v19  }
0x116: {  	v32 =	vshra.s32 v48, $0x1  }
0x117: {  	v19 =	vadd.s32 $0x1FBD1DF5, v32;
	(erf) = vrcp.f32 v27  }
0x118: {  	(erf) = vrcp.f32 v19;
	_ =	sdelay $0x7  }
0x119: {  	[tilespmem:$0x1FFB0] =	vst v1;
	v1 =	vpop (erf)  }
0x11a: {  	v33 =	vpop (erf)  }
0x11b: {  	v20 =	vmul.f32 v33, v48;
	_ =	sdelay $0x1  }
0x11c: {  	v19 =	vadd.f32 v19, v20;
	_ =	sdelay $0x1  }
0x11d: {  	v22 =	vmul.f32 $5.000000000e-01, v19  }
0x11e: {  	v35 =	vshra.s32 v47, $0x1  }
0x11f: {  	v19 =	vadd.s32 $0x1FBD1DF5, v35;
	(erf) = vrcp.f32 v22  }
0x120: {  	(erf) = vrcp.f32 v19;
	_ =	sdelay $0x7  }
0x121: {  	[tilespmem:$0x1FFC0] =	vst v1;
	v1 =	vpop (erf)  }
0x122: {  	v36 =	vpop (erf)  }
0x123: {  	v20 =	vmul.f32 v36, v47;
	_ =	sdelay $0x1  }
0x124: {  	v19 =	vadd.f32 v19, v20;
	_ =	sdelay $0x1  }
0x125: {  	v28 =	vmul.f32 $5.000000000e-01, v19  }
0x126: {  	v37 =	vshra.s32 v46, $0x1  }
0x127: {  	v19 =	vadd.s32 $0x1FBD1DF5, v37;
	(erf) = vrcp.f32 v28  }
0x128: {  	(erf) = vrcp.f32 v19;
	_ =	sdelay $0x7  }
0x129: {  	v37 =	vpop (erf)  }
0x12a: {  	v40 =	vpop (erf)  }
0x12b: {  	v20 =	vmul.f32 v40, v46;
	_ =	sdelay $0x1  }
0x12c: {  	v19 =	vadd.f32 v19, v20;
	_ =	sdelay $0x1  }
0x12d: {  	v32 =	vmul.f32 $5.000000000e-01, v19  }
0x12e: {  	v42 =	vshra.s32 v45, $0x1  }
0x12f: {  	v19 =	vadd.s32 $0x1FBD1DF5, v42;
	(erf) = vrcp.f32 v32  }
0x130: {  	(erf) = vrcp.f32 v19;
	_ =	sdelay $0x7  }
0x131: {  	v40 =	vpop (erf)  }
0x132: {  	v43 =	vpop (erf)  }
0x133: {  	v20 =	vmul.f32 v43, v45;
	_ =	sdelay $0x1  }
0x134: {  	v19 =	vadd.f32 v19, v20;
	_ =	sdelay $0x1  }
0x135: {  	v31 =	vmul.f32 $5.000000000e-01, v19  }
0x136: {  	v52 =	vshra.s32 v44, $0x1  }
0x137: {  	v19 =	vadd.s32 $0x1FBD1DF5, v52;
	(erf) = vrcp.f32 v31  }
0x138: {  	(erf) = vrcp.f32 v19;
	_ =	sdelay $0x7  }
0x139: {  	v43 =	vpop (erf)  }
0x13a: {  	v53 =	vpop (erf)  }
0x13b: {  	v20 =	vmul.f32 v53, v44;
	_ =	sdelay $0x1  }
0x13c: {  	v19 =	vadd.f32 v19, v20;
	_ =	sdelay $0x1  }
0x13d: {  	v33 =	vmul.f32 $5.000000000e-01, v19  }
0x13e: {  	v54 =	vshra.s32 v39, $0x1  }
0x13f: {  	v19 =	vadd.s32 $0x1FBD1DF5, v54;
	(erf) = vrcp.f32 v33  }
0x140: {  	(erf) = vrcp.f32 v19;
	_ =	sdelay $0x7  }
0x141: {  	v42 =	vpop (erf)  }
0x142: {  	v55 =	vpop (erf)  }
0x143: {  	v20 =	vmul.f32 v55, v39;
	_ =	sdelay $0x1  }
0x144: {  	v19 =	vadd.f32 v19, v20;
	_ =	sdelay $0x1  }
0x145: {  	v26 =	vmul.f32 $5.000000000e-01, v19  }
0x146: {  	v56 =	vshra.s32 v15, $0x1  }
0x147: {  	v19 =	vadd.s32 $0x1FBD1DF5, v56;
	(erf) = vrcp.f32 v26  }
0x148: {  	(erf) = vrcp.f32 v19;
	_ =	sdelay $0x7  }
0x149: {  	[tilespmem:$0x1FFD0] =	vst v1;
	v1 =	vpop (erf)  }
0x14a: {  	v57 =	vpop (erf)  }
0x14b: {  	v20 =	vmul.f32 v57, v15;
	_ =	sdelay $0x1  }
0x14c: {  	v19 =	vadd.f32 v19, v20;
	_ =	sdelay $0x1  }
0x14d: {  	v36 =	vmul.f32 $5.000000000e-01, v19  }
0x14e: {  	v58 =	vshra.s32 v38, $0x1  }
0x14f: {  	v52 =	vadd.s32 $0x1FBD1DF5, v58;
	(erf) = vrcp.f32 v36  }
0x150: {  	(erf) = vrcp.f32 v52;
	_ =	sdelay $0x7  }
0x151: {  	[tilespmem:$0x1FFE0] =	vst v1;
	v1 =	vpop (erf)  }
0x152: {  	v53 =	vpop (erf)  }
0x153: {  	v53 =	vmul.f32 v53, v38;
	_ =	sdelay $0x1  }
0x154: {  	v52 =	vadd.f32 v52, v53;
	_ =	sdelay $0x1  }
0x155: {  	v52 =	vmul.f32 $5.000000000e-01, v52  }
0x156: {  	v59 =	vshra.s32 v41, $0x1  }
0x157: {  	v53 =	vadd.s32 $0x1FBD1DF5, v59;
	(erf) = vrcp.f32 v52  }
0x158: {  	(erf) = vrcp.f32 v53;
	_ =	sdelay $0x7  }
0x159: {  	v54 =	vpop (erf)  }
0x15a: {  	v55 =	vpop (erf)  }
0x15b: {  	v55 =	vmul.f32 v55, v41;
	_ =	sdelay $0x1  }
0x15c: {  	v53 =	vadd.f32 v53, v55;
	_ =	sdelay $0x1  }
0x15d: {  	v53 =	vmul.f32 $5.000000000e-01, v53  }
0x15e: {  	v61 =	vshra.s32 v34, $0x1  }
0x15f: {  	v55 =	vadd.s32 $0x1FBD1DF5, v61;
	(erf) = vrcp.f32 v53  }
0x160: {  	(erf) = vrcp.f32 v55;
	_ =	sdelay $0x7  }
0x161: {  	v56 =	vpop (erf)  }
0x162: {  	v57 =	vpop (erf)  }
0x163: {  	v57 =	vmul.f32 v57, v34;
	_ =	sdelay $0x1  }
0x164: {  	v55 =	vadd.f32 v55, v57;
	_ =	sdelay $0x1  }
0x165: {  	v55 =	vmul.f32 $5.000000000e-01, v55  }
0x166: {  	v63 =	vshra.s32 v24, $0x1  }
0x167: {  	v57 =	vadd.s32 $0x1FBD1DF5, v63;
	(erf) = vrcp.f32 v55  }
0x168: {  	(erf) = vrcp.f32 v57;
	_ =	sdelay $0x7  }
0x169: {  	v58 =	vpop (erf)  }
0x16a: {  	v59 =	vpop (erf)  }
0x16b: {  	v59 =	vmul.f32 v59, v24;
	_ =	sdelay $0x1  }
0x16c: {  	v57 =	vadd.f32 v57, v59;
	_ =	sdelay $0x1  }
0x16d: {  	v57 =	vmul.f32 $5.000000000e-01, v57  }
0x16e: {  	v19 =	vshra.s32 v18, $0x1  }
0x16f: {  	v59 =	vadd.s32 $0x1FBD1DF5, v19;
	(erf) = vrcp.f32 v57  }
0x170: {  	(erf) = vrcp.f32 v59;
	_ =	sdelay $0x7  }
0x171: {  	v35 =	vpop (erf)  }
0x172: {  	v61 =	vpop (erf)  }
0x173: {  	v61 =	vmul.f32 v61, v18;
	_ =	sdelay $0x1  }
0x174: {  	v59 =	vadd.f32 v59, v61;
	_ =	sdelay $0x1  }
0x175: {  	v59 =	vmul.f32 $5.000000000e-01, v59  }
0x176: {  	v20 =	vshra.s32 v17, $0x1  }
0x177: {  	v61 =	vadd.s32 $0x1FBD1DF5, v20;
	(erf) = vrcp.f32 v59  }
0x178: {  	(erf) = vrcp.f32 v61;
	_ =	sdelay $0x7  }
0x179: {  	v29 =	vpop (erf)  }
0x17a: {  	v63 =	vpop (erf)  }
0x17b: {  	v63 =	vmul.f32 v63, v17;
	_ =	sdelay $0x1  }
0x17c: {  	v61 =	vadd.f32 v61, v63;
	_ =	sdelay $0x1  }
0x17d: {  	v61 =	vmul.f32 $5.000000000e-01, v61  }
0x17e: {  	v23 =	vshra.s32 v16, $0x1  }
0x17f: {  	v63 =	vadd.s32 $0x1FBD1DF5, v23;
	(erf) = vrcp.f32 v61  }
0x180: {  	(erf) = vrcp.f32 v63;
	_ =	sdelay $0x7  }
0x181: {  	v23 =	vpop (erf)  }
0x182: {  	v30 =	vpop (erf)  }
0x183: {  	v20 =	vmul.f32 v30, v16;
	_ =	sdelay $0x1  }
0x184: {  	v20 =	vadd.f32 v63, v20;
	_ =	sdelay $0x1  }
0x185: {  	v20 =	vmul.f32 $5.000000000e-01, v20  }
0x186: {  	v30 =	vshra.s32 v14, $0x1  }
0x187: {  	v63 =	vadd.s32 $0x1FBD1DF5, v30;
	(erf) = vrcp.f32 v20  }
0x188: {  	(erf) = vrcp.f32 v63;
	_ =	sdelay $0x7  }
0x189: {  	v19 =	vpop (erf)  }
0x18a: {  	v30 =	vpop (erf)  }
0x18b: {  	v30 =	vmul.f32 v30, v14  }
0x18c: {  	[tilespmem:$0x1FFF0] =	vst v1;
	v1 =	vmul.f32 v60, v51;
	v60 =	vld [tilespmem:$0x1FFB0]  }
0x18d: {  	v30 =	vadd.f32 v63, v30;
	_ =	sdelay $0x1  }
0x18e: {  	v30 =	vmul.f32 $5.000000000e-01, v30  }
0x18f: {  	v63 =	vshra.s32 v13, $0x1  }
0x190: {  	v60 =	vmul.f32 v60, v50;
	v63 =	vadd.s32 $0x1FBD1DF5, v63;
	(erf) = vrcp.f32 v30  }
0x191: {  	(erf) = vrcp.f32 v63  }
0x192: {  	v1 =	vadd.f32 v1, v21;
	v21 =	vadd.f32 v60, v25;
	v60 =	vld [tilespmem:$0x1FFC0];
	_ =	sdelay $0x4  }
0x193: {  	v25 =	vmul.f32 v60, v49;
	_ =	sdelay $0x1  }
0x194: {  	vm0 =	vgt.f32 v51, $0.0e+00;
	v51 =	vld [tilespmem:$0x1FFD0];
	v25 =	vadd.f32 v25, v27;
	v27 =	vpop (erf)  }
0x195: {  	vm9 =	vgt.f32 v50, $0.0e+00;
	v1 =	vmul.f32 $5.000000000e-01, v1;
	v60 =	vpop (erf)  }
0x196: {  	vm10 =	vgt.f32 v49, $0.0e+00;
	v21 =	vmul.f32 $5.000000000e-01, v21;
	v50 =	vmul.f32 v60, v13  }
0x197: {  	vm11 =	vgt.f32 v48, $0.0e+00;
	vm12 =	vgt.f32 v47, $0.0e+00;
	v37 =	vmul.f32 v37, v47  }
0x198: {  	v1 =	vnsel vm0, $0x0, v1;
	v21 =	vnsel vm9, $0x0, v21;
	v49 =	vadd.f32 v63, v50  }
0x199: {  	vm13 =	vgt.f32 v46, $0.0e+00;
	v1 =	vadd.f32 v21, v1;
	v21 =	vmul.f32 v51, v48  }
0x19a: {  	v60 =	vmul.f32 v40, v46;
	v63 =	vadd.f32 v37, v28;
	v28 =	vmul.f32 $5.000000000e-01, v49  }
0x19b: {  	vm14 =	vgt.f32 v45, $0.0e+00;
	v21 =	vadd.f32 v21, v22;
	v40 =	vshra.s32 v12, $0x1  }
0x19c: {  	v22 =	vadd.f32 v60, v32;
	v32 =	vadd.s32 $0x1FBD1DF5, v40;
	(erf) = vrcp.f32 v28  }
0x19d: {  	vm15 =	vgt.f32 v44, $0.0e+00;
	v25 =	vmul.f32 $5.000000000e-01, v25;
	(erf) = vrcp.f32 v32  }
0x19e: {  	vm4 =	vgt.f32 v38, $0.0e+00;
	vm5 =	vgt.f32 v41, $0.0e+00;
	vm6 =	vgt.f32 v34, $0.0e+00  }
0x19f: {  	vm7 =	vgt.f32 v39, $0.0e+00;
	v21 =	vmul.f32 $5.000000000e-01, v21;
	v25 =	vnsel vm10, $0x0, v25  }
0x1a0: {  	vm8 =	vgt.f32 v24, $0.0e+00;
	v43 =	vmul.f32 v43, v45;
	v1 =	vadd.f32 v25, v1  }
0x1a1: {  	vm9 =	vgt.f32 v18, $0.0e+00;
	v21 =	vnsel vm11, $0x0, v21;
	v25 =	vmul.f32 $5.000000000e-01, v63  }
0x1a2: {  	v48 =	vadd.f32 v43, v31;
	v54 =	vmul.f32 v54, v38;
	v1 =	vadd.f32 v21, v1  }
0x1a3: {  	v22 =	vmul.f32 $5.000000000e-01, v22;
	v49 =	vmul.f32 v42, v44;
	v25 =	vnsel vm12, $0x0, v25  }
0x1a4: {  	vm10 =	vgt.f32 v17, $0.0e+00;
	vm11 =	vgt.f32 v16, $0.0e+00;
	v1 =	vadd.f32 v25, v1  }
0x1a5: {  	v21 =	vmul.f32 $5.000000000e-01, v48;
	v50 =	vadd.f32 v49, v33;
	v22 =	vnsel vm13, $0x0, v22;
	v63 =	vpop (erf)  }
0x1a6: {  	v45 =	vmul.f32 v35, v24;
	v60 =	vmul.f32 v56, v41;
	v1 =	vadd.f32 v22, v1;
	v43 =	vpop (erf)  }
0x1a7: {  	v21 =	vnsel vm14, $0x0, v21;
	v51 =	vmul.f32 $5.000000000e-01, v50;
	v44 =	vmul.f32 v43, v12  }
0x1a8: {  	v42 =	vmul.f32 v58, v34;
	v25 =	vadd.f32 v54, v52;
	v1 =	vadd.f32 v21, v1  }
0x1a9: {  	v22 =	vnsel vm15, $0x0, v51;
	v21 =	vadd.f32 v60, v53;
	v32 =	vadd.f32 v32, v44  }
0x1aa: {  	v47 =	vadd.f32 v45, v57;
	v25 =	vmul.f32 $5.000000000e-01, v25;
	v1 =	vadd.f32 v22, v1  }
0x1ab: {  	v22 =	vadd.f32 v42, v55;
	v21 =	vmul.f32 $5.000000000e-01, v21;
	v46 =	vmul.f32 $5.000000000e-01, v32  }
0x1ac: {  	v29 =	vmul.f32 v29, v18;
	v19 =	vmul.f32 v19, v16;
	v25 =	vnsel vm4, $0x0, v25  }
0x1ad: {  	v21 =	vnsel vm5, $0x0, v21;
	v22 =	vmul.f32 $5.000000000e-01, v22;
	(erf) = vrcp.f32 v46  }
0x1ae: {  	v48 =	vmul.f32 $5.000000000e-01, v47;
	v19 =	vadd.f32 v19, v20;
	v21 =	vadd.f32 v21, v25  }
0x1af: {  	v23 =	vmul.f32 v23, v17;
	v40 =	vld [tilespmem:$0x1FFE0];
	v49 =	vadd.f32 v29, v59;
	v22 =	vnsel vm6, $0x0, v22  }
0x1b0: {  	vm14 =	vgt.f32 v15, $0.0e+00;
	v19 =	vmul.f32 $5.000000000e-01, v19;
	v21 =	vadd.f32 v22, v21  }
0x1b1: {  	v23 =	vadd.f32 v23, v61;
	v56 =	vld [tilespmem:$0x1FFF0];
	v50 =	vmul.f32 $5.000000000e-01, v49;
	v22 =	vnsel vm8, $0x0, v48  }
0x1b2: {  	v19 =	vnsel vm11, $0x0, v19;
	vm12 =	vgt.f32 v14, $0.0e+00;
	v21 =	vadd.f32 v22, v21  }
0x1b3: {  	v51 =	vmul.f32 $5.000000000e-01, v23;
	v52 =	vnsel vm9, $0x0, v50;
	v53 =	vmul.f32 v27, v14  }
0x1b4: {  	vm13 =	vgt.f32 v13, $0.0e+00;
	v33 =	vmul.f32 v40, v39;
	v20 =	vadd.f32 v52, v21  }
0x1b5: {  	v18 =	vnsel vm10, $0x0, v51;
	v54 =	vadd.f32 v53, v30;
	v55 =	vmul.f32 v63, v13  }
0x1b6: {  	v26 =	vadd.f32 v33, v26;
	v21 =	vmul.f32 v56, v15;
	v18 =	vadd.f32 v18, v20;
	v57 =	vpop (erf)  }
0x1b7: {  	v16 =	vmul.f32 $5.000000000e-01, v54;
	v17 =	vadd.f32 v55, v28;
	v20 =	vmul.f32 v57, v12  }
0x1b8: {  	v26 =	vmul.f32 $5.000000000e-01, v26;
	v21 =	vadd.f32 v21, v36;
	v18 =	vadd.f32 v19, v18  }
0x1b9: {  	v14 =	vnsel vm12, $0x0, v16;
	v58 =	vmul.f32 $5.000000000e-01, v17;
	v59 =	vadd.f32 v20, v46  }
0x1ba: {  	v26 =	vnsel vm7, $0x0, v26;
	v60 =	vmul.f32 $5.000000000e-01, v21;
	v14 =	vadd.f32 v14, v18  }
0x1bb: {  	v1 =	vadd.f32 v26, v1;
	v13 =	vnsel vm13, $0x0, v58;
	v61 =	vmul.f32 $5.000000000e-01, v59  }
0x1bc: {  	vm15 =	vgt.f32 v12, $0.0e+00;
	v63 =	vnsel vm14, $0x0, v60;
	v13 =	vadd.f32 v13, v14  }
0x1bd: {  	v1 =	vadd.f32 v63, v1;
	v12 =	vnsel vm15, $0x0, v61  }
0x1be: {  	v12 =	vadd.f32 v12, v13  }
0x1bf: {  	v1 =	vmul.f32 $1.000000010e-01, v1  }
0x1c0: {  	s11 =	sadd.s32 $0x1, s11;
	v12 =	vmul.f32 $1.000000010e-01, v12  }
0x1c1: {  	p0 =	sne.s32 s11, s6;
	[tilespmem:$0x9000] =	vst v1  }
.Ltmp2:
0x1c2: {  	[tilespmem:$0x9010] =	vst v12;
	(pc) =	sbr.rel @p0 .LBB2_1-.Ltmp2, $4  }
0x1c3: {  	[hbm4b:s5+s2] =	stream.linear.scatter [tilespmem:s10], [sflag:$0x2], $0x20, $0x38;
	[tilespmem:$0x9080] =	vst v63  }
0x1c4: {  	_ =	swait.ge [sflag:s8], $0x20  }
0x1c5: {  	[sflag:s8] =	ssyncset.done $0x0  }
0x1c6: {  	[sflag:s8] =	ssyncadd.s32 $0xFFFFFFE0  }
0x1c7: {  	_ =	sfence.sel $0x180000  }
0x1c8: {  	[bflag:$0x0] =	sbarrier.arrive $0xFFFF  }
0x1c9: {  	p0 =	sne.s32 s1, $0x0;
	_ =	strace $0x90000047  }
0x1ca: {  	s0 =	sadd.s32 @!p0 $0x100000, s0;
	[bflag:$0x2] =	sbarrier.arrive $0xFFFF  }
0x1cb: {  	[sflag:s0] =	ssyncadd.tile.s32 @!p0 $0x1;
	_ =	shalt  }
.Lfunc_end2:
_tile_overlayer_lowered:
.L_overlay_start_2:
0x1cc: {  	(tag) =	ssettag $0x2  }
0x1cd: {  	s0 =	rddreg [dreg:$0x0];
	s2 =	stileid.u32  }
0x1ce: {  	s1 =	rddreg [dreg:$0x1];
	p0 =	sne.s32 s2, $0x0  }
0x1cf: {  	s3 =	rddreg [dreg:$0x2];
	[bflag:$0x3] =	sbarrier.arrive $0xFFFF;
	s2 =	simm.s32 @!p0 $0x1C02  }
0x1d0: {  	[timem:s3], [sflag:s2] =	dma.local @!p0 [hbm:s0], s1  }
0x1d1: {  	s0 =	simm.s32 @!p0 $0x2  }
0x1d2: {  	_ =	swait.ge @!p0 [sflag:s0], s1  }
0x1d3: {  	s1 =	ssub.s32 @!p0 $0x0, s1;
	[sflag:s0] =	ssyncset.done @!p0 $0x0  }
0x1d4: {  	[sflag:s0] =	ssyncadd.s32 @!p0 s1  }
0x1d5: {  	[bflag:$0x3] =	sbarrier.arrive $0xFFFF  }
0x1d6: {  	_ =	shalt  }

</sc_bundles>
